<compile_context>
chip_gen: v7x
topology: tpu7x:2x2x1
jax: 0.10.2.dev20260603
libtpu: 0.0.44.dev20260713+nightly
codegen_flags: <defaults>
</compile_context>

<pallas_src>
import dataclasses
import functools

import jax
import jax.numpy as jnp
from jax import lax
from jax.experimental import pallas as pl
from jax.experimental.pallas import tpu as pltpu
from jax.experimental.pallas import tpu_sc as plsc

F32 = jnp.float32
BF16 = jnp.bfloat16

D = 256
NW = 32
EW = 128
CHUNKS = 13
CHUNKS_PAD = 16
PE = NW * CHUNKS * EW
HALF = PE // 2
CH = 1024
P3 = 5888
PL = 41984
BM = 1024
BM3 = 1472

_CP = pltpu.CompilerParams()
if "needs_layout_passes" in pltpu.CompilerParams.__dataclass_fields__:
    _CP = dataclasses.replace(_CP, needs_layout_passes=False)


def _ln(x, g, b):
    mu = jnp.mean(x, axis=-1, keepdims=True)
    xc = x - mu
    var = jnp.mean(xc * xc, axis=-1, keepdims=True)
    return xc * lax.rsqrt(var + 1e-5) * g + b


def _bdot(a, w_ref):
    return jnp.dot(a, w_ref[...], preferred_element_type=F32)


def _enc_small_k(inp, w0_ref, b0_ref):
    return jnp.maximum(_bdot(inp, w0_ref) + b0_ref[...], 0.0)


def _mlp3(inp, refs):
    w0, b0, w1, b1, w2, b2, g, beta = refs
    h = _enc_small_k(inp, w0, b0)
    h = jnp.maximum(_bdot(h, w1) + b1[...], 0.0)
    return _ln(_bdot(h, w2) + b2[...], g[...], beta[...])


def _full(a):
    return pl.BlockSpec(a.shape, lambda *_: (0,) * a.ndim)


def _rows(bm, nc):
    return pl.BlockSpec((bm, nc), lambda i: (i, 0))


def _h3_prep_kernel(h3_ref, w0, b0, w1, b1, w2, b2, g, beta, p1b, x_out, y_out):
    x = _mlp3(h3_ref[...], (w0, b0, w1, b1, w2, b2, g, beta))
    x_out[...] = x
    y_out[...] = _bdot(x, p1b)


def _h3_prep(h3p, ne, p1b):
    grid = (P3 // BM3,)
    args = (h3p, *ne, p1b)
    in_specs = [_rows(BM3, h3p.shape[1])] + [_full(a) for a in args[1:]]
    return pl.pallas_call(
        _h3_prep_kernel,
        grid=grid,
        in_specs=in_specs,
        out_specs=[_rows(BM3, D), _rows(BM3, D)],
        out_shape=[
            jax.ShapeDtypeStruct((P3, D), F32),
            jax.ShapeDtypeStruct((P3, D), F32),
        ],
    )(*args)


def _edges_kernel(feat_ref, attr_ref, ydst_ref,
                  nw0, nb0, nw1, nb1, nw2, nb2, ng, nbeta,
                  ew0, eb0, ew1, eb1, ew2, eb2, eg, ebeta,
                  p1a, p1c, pb1, p2, pb2, p3w, pb3, pg, pbeta,
                  out_ref):
    x = _mlp3(feat_ref[...], (nw0, nb0, nw1, nb1, nw2, nb2, ng, nbeta))
    e = _mlp3(attr_ref[...], (ew0, eb0, ew1, eb1, ew2, eb2, eg, ebeta))
    h = jnp.maximum(_bdot(x, p1a) + _bdot(e, p1c) + ydst_ref[...] + pb1[...], 0.0)
    h = jnp.maximum(_bdot(h, p2) + pb2[...], 0.0)
    e_upd = _ln(_bdot(h, p3w) + pb3[...], pg[...], pbeta[...]) + e
    out_ref[...] = e_upd.T


def _edges(featp, attrp, y_dst, ne, ee, pw):
    grid = (PE // BM,)
    args = (featp, attrp, y_dst, *ne, *ee, *pw)
    in_specs = [
        _rows(BM, featp.shape[1]),
        _rows(BM, attrp.shape[1]),
        _rows(BM, D),
    ] + [_full(a) for a in args[3:]]
    return pl.pallas_call(
        _edges_kernel,
        grid=grid,
        in_specs=in_specs,
        out_specs=pl.BlockSpec((D, BM), lambda i: (0, i)),
        out_shape=jax.ShapeDtypeStruct((D, PE), F32),
    )(*args)


def _lat_kernel(attr_ref, w0, b0, w1, b1, w2, b2, g, beta, out_ref):
    out_ref[...] = _mlp3(attr_ref[...], (w0, b0, w1, b1, w2, b2, g, beta))


def _lat(latp, le):
    grid = (PL // BM,)
    args = (latp, *le)
    in_specs = [_rows(BM, latp.shape[1])] + [_full(a) for a in args[1:]]
    return pl.pallas_call(
        _lat_kernel,
        grid=grid,
        in_specs=in_specs,
        out_specs=_rows(BM, D),
        out_shape=jax.ShapeDtypeStruct((PL, D), F32),
    )(*args)


def _nodeproc_kernel(x_ref, aggt_ref,
                     m1a, m1b, mb1, m2, mb2, m3, mb3, mg, mbeta,
                     out_ref):
    x = x_ref[...]
    aggt = aggt_ref[...]
    agg = (aggt[0] + aggt[1]).T
    h = jnp.maximum(_bdot(x, m1a) + _bdot(agg, m1b) + mb1[...], 0.0)
    h = jnp.maximum(_bdot(h, m2) + mb2[...], 0.0)
    out_ref[...] = _ln(_bdot(h, m3) + mb3[...], mg[...], mbeta[...]) + x


def _nodeproc(x_h3, aggT, nw):
    bm = 256
    grid = (P3 // bm,)
    args = (x_h3, aggT, *nw)
    in_specs = [
        _rows(bm, D),
        pl.BlockSpec((2, D, bm), lambda i: (0, 0, i)),
    ] + [_full(a) for a in args[2:]]
    return pl.pallas_call(
        _nodeproc_kernel,
        grid=grid,
        in_specs=in_specs,
        out_specs=_rows(bm, D),
        out_shape=jax.ShapeDtypeStruct((P3, D), F32),
    )(*args)


def _sc_gather(table, idx2d):
    mesh = plsc.VectorSubcoreMesh(core_axis_name="core", subcore_axis_name="subcore")

    @functools.partial(
        pl.kernel,
        out_type=jax.ShapeDtypeStruct((PE, D), F32),
        mesh=mesh,
        scratch_types=[
            pltpu.VMEM((CHUNKS_PAD, EW), jnp.int32),
            pltpu.VMEM((EW, D), F32),
            pltpu.VMEM((EW, D), F32),
            pltpu.SemaphoreType.DMA,
            pltpu.SemaphoreType.DMA,
        ],
    )
    def k(table_hbm, i_hbm, o_hbm, idx_v, rows0, rows1, sem0, sem1):
        wid = lax.axis_index("subcore") * 2 + lax.axis_index("core")
        pltpu.sync_copy(i_hbm.at[wid], idx_v)
        base = wid * CHUNKS * EW
        bufs = ((rows0, sem0), (rows1, sem1))

        def start(b, j):
            pltpu.async_copy(table_hbm.at[idx_v.at[j]], bufs[b][0], bufs[b][1])

        def finish(b, j):
            pltpu.make_async_copy(table_hbm.at[idx_v.at[j]], bufs[b][0], bufs[b][1]).wait()
            pltpu.sync_copy(bufs[b][0], o_hbm.at[pl.ds(base + j * EW, EW)])

        start(0, 0)

        @pl.loop(0, CHUNKS // 2)
        def _(p):
            j0 = p * 2
            start(1, j0 + 1)
            finish(0, j0)

            @pl.when(j0 + 2 < CHUNKS)
            def _():
                start(0, j0 + 2)

            finish(1, j0 + 1)

        finish(0, CHUNKS - 1)

    return k(table, idx2d)


def _sc_scatter(e_updT, idx1d, zerosT):
    mesh = plsc.VectorSubcoreMesh(core_axis_name="core", subcore_axis_name="subcore")

    @functools.partial(
        pl.kernel,
        out_type=jax.ShapeDtypeStruct((2, D, P3), F32),
        mesh=mesh,
        scratch_types=[
            pltpu.VMEM((16, P3), F32),
            pltpu.VMEM((CH,), jnp.int32),
            pltpu.VMEM((CH,), jnp.int32),
            pltpu.VMEM((16, CH), F32),
            pltpu.VMEM((16, CH), F32),
            pltpu.SemaphoreType.DMA,
            pltpu.SemaphoreType.DMA,
        ],
        compiler_params=_CP,
    )
    def k(x_hbm, i_hbm, z_hbm, o_hbm, acc, idx0, idx1, x0, x1, sem0, sem1):
        c = lax.axis_index("core")
        s = lax.axis_index("subcore")
        pltpu.sync_copy(z_hbm, acc)
        col0 = s * 16
        ebase = c * HALF
        nch = HALF // CH
        bufs = ((idx0, x0, sem0), (idx1, x1, sem1))

        def start(b, t):
            off = ebase + t * CH
            iv, xv, sem = bufs[b]
            pltpu.async_copy(i_hbm.at[pl.ds(off, CH)], iv, sem)
            pltpu.async_copy(x_hbm.at[pl.ds(col0, 16), pl.ds(off, CH)], xv, sem)

        def compute(b, t):
            off = ebase + t * CH
            iv, xv, sem = bufs[b]
            pltpu.make_async_copy(i_hbm.at[pl.ds(off, CH)], iv, sem).wait()
            pltpu.make_async_copy(
                x_hbm.at[pl.ds(col0, 16), pl.ds(off, CH)], xv, sem
            ).wait()

            @pl.loop(0, CH // 16)
            def _(g):
                v_idx = iv[pl.ds(g * 16, 16)]
                for kk in range(16):
                    rowk = jnp.full((16,), kk, jnp.int32)
                    plsc.addupdate_scatter(
                        acc, [rowk, v_idx], xv[kk, pl.ds(g * 16, 16)]
                    )

        start(0, 0)

        @pl.loop(0, nch // 2)
        def _(p):
            t0 = p * 2
            start(1, t0 + 1)
            compute(0, t0)

            @pl.when(t0 + 2 < nch)
            def _():
                start(0, t0 + 2)

            compute(1, t0 + 1)

        pltpu.sync_copy(acc, o_hbm.at[c, pl.ds(col0, 16)])

    return k(e_updT, idx1d, zerosT)


def _prep_mlp(p):
    (w0, b0), (w1, b1), (w2, b2) = p["layers"]
    r = lambda v: v.reshape(1, -1)
    return (
        w0,
        r(b0),
        w1,
        r(b1),
        w2,
        r(b2),
        r(p["ln_g"]),
        r(p["ln_b"]),
    )


def kernel(features, h3_nodes, in_edge_index, in_edge_attr, lat_edge_index, lat_edge_attr, params):
    n_obs = features.shape[1]
    n3 = h3_nodes.shape[0]
    n_lat = lat_edge_attr.shape[0]

    ne = _prep_mlp(params["node_encoder"])
    ee = _prep_mlp(params["edge_encoder"])
    le = _prep_mlp(params["latent_edge_encoder"])

    pe = params["edge_proc"]
    p1 = pe["layers"][0][0]
    p1a, p1b, p1c = p1[:D], p1[D : 2 * D], p1[2 * D :]
    r = lambda v: v.reshape(1, -1)
    pw = (
        p1a, p1c, r(pe["layers"][0][1]),
        pe["layers"][1][0], r(pe["layers"][1][1]),
        pe["layers"][2][0], r(pe["layers"][2][1]),
        r(pe["ln_g"]), r(pe["ln_b"]),
    )

    pn = params["node_proc"]
    m1 = pn["layers"][0][0]
    nw = (
        m1[:D], m1[D:], r(pn["layers"][0][1]),
        pn["layers"][1][0], r(pn["layers"][1][1]),
        pn["layers"][2][0], r(pn["layers"][2][1]),
        r(pn["ln_g"]), r(pn["ln_b"]),
    )

    featp = jnp.pad(features.reshape(-1, features.shape[-1]), ((0, PE - n_obs), (0, 0)))
    attrp = jnp.pad(in_edge_attr, ((0, PE - n_obs), (0, 0)))
    h3p = jnp.pad(h3_nodes, ((0, P3 - n3), (0, 0)))
    latp = jnp.pad(lat_edge_attr, ((0, PL - n_lat), (0, 0)))
    idx = in_edge_index[1] - n_obs
    pad_tail = n3 + jnp.arange(PE - n_obs, dtype=jnp.int32) % (P3 - n3)
    idxp = jnp.concatenate([idx, pad_tail])
    idx3d_g = jnp.pad(
        idxp.reshape(NW, CHUNKS, EW),
        ((0, 0), (0, CHUNKS_PAD - CHUNKS), (0, 0)),
        constant_values=n3,
    )
    zerosT = jnp.zeros((16, P3), F32)

    x_h3, y_h3 = _h3_prep(h3p, ne, p1b)
    y_dst = _sc_gather(y_h3, idx3d_g)
    e_updT = _edges(featp, attrp, y_dst, ne, ee, pw)
    aggT = _sc_scatter(e_updT, idxp, zerosT)
    lat_e = _lat(latp, le)
    out = _nodeproc(x_h3, aggT, nw)

    return out[:n3], lat_edge_index, lat_e[:n_lat]

# --- scband reference (transcript-rebuilt; emitter-appended) ---
"""Pipeline reference for scband-assimilator-encoder-68066641707594 (READ-ONLY COPY).

The authoritative reference and input builder live on the scoring server;
editing this copy changes nothing except your own understanding.
"""

import jax, jax.numpy as jnp
import numpy as np

N_OBS = 50000
N_H3 = 5882
E_LAT = 7 * N_H3
INPUT_DIM = 2
OUT_DIM = 256
EDGE_DIM = 256
HID = 256
N_HIDDEN = 2

def mlp_init(key, in_dim, out_dim, hidden, n_hidden):
    dims = [in_dim] + [hidden] * n_hidden + [out_dim]
    keys = jax.random.split(key, len(dims) - 1)
    layers = []
    for i in range(len(dims) - 1):
        W = jax.random.normal(keys[i], (dims[i], dims[i + 1]), dtype=jnp.float32) / np.sqrt(dims[i])
        b = jnp.zeros((dims[i + 1],), dtype=jnp.float32)
        layers.append((W, b))
    return {"layers": layers, "ln_g": jnp.ones((out_dim,), jnp.float32), "ln_b": jnp.zeros((out_dim,), jnp.float32)}

def mlp_apply(p, x):
    for (W, b) in p["layers"][:-1]:
        x = jax.nn.relu(x @ W + b)
    W, b = p["layers"][-1]
    x = x @ W + b
    mu = jnp.mean(x, axis=-1, keepdims=True)
    var = jnp.var(x, axis=-1, keepdims=True)
    return (x - mu) / jnp.sqrt(var + 1e-5) * p["ln_g"] + p["ln_b"]

def setup_inputs(seed: int = 0):
    key = jax.random.key(seed)
    ks = jax.random.split(key, 10)
    features = jax.random.normal(ks[0], (1, N_OBS, INPUT_DIM), dtype=jnp.float32)
    h3_nodes = jnp.zeros((N_H3, INPUT_DIM), jnp.float32)
    src = jnp.arange(N_OBS, dtype=jnp.int32)
    dst = N_OBS + jax.random.randint(ks[1], (N_OBS,), 0, N_H3, dtype=jnp.int32)
    in_edge_index = jnp.stack([src, dst])
    d = jax.random.uniform(ks[2], (N_OBS,), minval=0.0, maxval=np.pi)
    h = jax.random.uniform(ks[3], (N_OBS,))
    in_edge_attr = jnp.stack([jnp.sin(d), jnp.cos(d), h], axis=-1).astype(jnp.float32)
    lat_src = jnp.repeat(jnp.arange(N_H3, dtype=jnp.int32), 7)
    lat_dst = jax.random.randint(ks[4], (E_LAT,), 0, N_H3, dtype=jnp.int32)
    lat_edge_index = jnp.stack([lat_src, lat_dst])
    dl = jax.random.uniform(ks[5], (E_LAT,), minval=0.0, maxval=np.pi)
    lat_edge_attr = jnp.stack([jnp.sin(dl), jnp.cos(dl)], axis=-1).astype(jnp.float32)
    params = {
        "node_encoder": mlp_init(ks[6], INPUT_DIM, OUT_DIM, HID, N_HIDDEN),
        "edge_encoder": mlp_init(ks[7], 3, EDGE_DIM, HID, N_HIDDEN),
        "latent_edge_encoder": mlp_init(ks[8], 2, EDGE_DIM, HID, N_HIDDEN),
        "edge_proc": mlp_init(jax.random.fold_in(ks[9], 1), 2 * OUT_DIM + EDGE_DIM, EDGE_DIM, HID, N_HIDDEN),
        "node_proc": mlp_init(jax.random.fold_in(ks[9], 2), OUT_DIM + EDGE_DIM, OUT_DIM, HID, N_HIDDEN),
    }
    return {"features": features, "h3_nodes": h3_nodes, "in_edge_index": in_edge_index, "in_edge_attr": in_edge_attr, "lat_edge_index": lat_edge_index, "lat_edge_attr": lat_edge_attr, "params": params}

def reference(features, h3_nodes, in_edge_index, in_edge_attr, lat_edge_index, lat_edge_attr, params):
    B = features.shape[0]
    n_obs = features.shape[1]
    nodes = jnp.concatenate([features, jnp.broadcast_to(h3_nodes[None], (B,) + h3_nodes.shape)], axis=1)
    x = nodes.reshape(-1, nodes.shape[-1])
    x = mlp_apply(params["node_encoder"], x)
    e = mlp_apply(params["edge_encoder"], in_edge_attr)
    src = in_edge_index[0]
    dst = in_edge_index[1]
    e_upd = mlp_apply(params["edge_proc"], jnp.concatenate([x[src], x[dst], e], axis=-1)) + e
    agg = jax.ops.segment_sum(e_upd, dst, num_segments=x.shape[0])
    x = mlp_apply(params["node_proc"], jnp.concatenate([x, agg], axis=-1)) + x
    x = x.reshape(B, -1, x.shape[-1])
    out = x[:, n_obs:, :].reshape(-1, x.shape[-1])
    lat_e = mlp_apply(params["latent_edge_encoder"], lat_edge_attr)
    return out, lat_edge_index, lat_e

if __name__ == "__main__":
    import jax
    _d = setup_inputs()
    print(jax.jit(kernel)(*tuple(_d.values())))

</pallas_src>

<mosaic_0001>
#map = affine_map<(d0, d1) -> (0, 0)>
#map1 = affine_map<(d0, d1) -> (0)>
#map2 = affine_map<(d0, d1) -> (0, 0, 0)>
module attributes {stable_mosaic.version = 14 : i64} {
  func.func @k(%arg0: i32, %arg1: i32, %arg2: memref<256x53248xf32, #tpu.memory_space<hbm>>, %arg3: memref<53248xi32, #tpu.memory_space<hbm>>, %arg4: memref<16x5888xf32, #tpu.memory_space<hbm>>, %arg5: memref<2x256x5888xf32, #tpu.memory_space<hbm>>, %arg6: memref<16x5888xf32, #tpu.memory_space<vmem>>, %arg7: memref<1024xi32, #tpu.memory_space<vmem>>, %arg8: memref<1024xi32, #tpu.memory_space<vmem>>, %arg9: memref<16x1024xf32, #tpu.memory_space<vmem>>, %arg10: memref<16x1024xf32, #tpu.memory_space<vmem>>, %arg11: memref<!tpu.dma_semaphore, #tpu.memory_space<semaphore_mem>>, %arg12: memref<!tpu.dma_semaphore, #tpu.memory_space<semaphore_mem>>) attributes {dimension_semantics = [#tpu.dimension_semantics<core_parallel>, #tpu.dimension_semantics<subcore_parallel>], iteration_bounds = array<i64: 2, 16>, scalar_prefetch = 0 : i64, scratch_operands = 7 : i64, tpu.core_type = #tpu.core_type<sc_vector_subcore>, window_params = [{transform_indices = #map}, {transform_indices = #map1}, {transform_indices = #map}, {transform_indices = #map2}]} {
    "tpu.region"() ({
      %run_scoped3A = tpu.sem_alloc : memref<!tpu.dma_semaphore, #tpu.memory_space<semaphore_mem>>
      tpu.enqueue_dma source(%arg4 : memref<16x5888xf32, #tpu.memory_space<hbm>>) target(%arg6 : memref<16x5888xf32, #tpu.memory_space<vmem>>) target_semaphore(%run_scoped3A : memref<!tpu.dma_semaphore, #tpu.memory_space<semaphore_mem>>)
      tpu.wait_dma2 semaphore(%run_scoped3A : memref<!tpu.dma_semaphore, #tpu.memory_space<semaphore_mem>>) src(%arg4 : memref<16x5888xf32, #tpu.memory_space<hbm>>) dst(%arg6 : memref<16x5888xf32, #tpu.memory_space<vmem>>)
      tpu.yield
    }) : () -> ()
    %mul3A = arith.constant 16 : i32
    %mul3A_0 = arith.muli %arg1, %mul3A : i32
    %mul3A_1 = arith.constant 26624 : i32
    %mul3A_2 = arith.muli %arg0, %mul3A_1 : i32
    %add3A = arith.constant 0 : i32
    %add3A_3 = arith.addi %mul3A_2, %add3A : i32
    %dma_start3A = tpu.memref_slice %arg3[%add3A_3] : memref<53248xi32, #tpu.memory_space<hbm>> -> memref<1024xi32, #tpu.memory_space<hbm>>
    %dma_start3A_4 = tpu.memref_slice %arg3[%add3A_3] : memref<53248xi32, #tpu.memory_space<hbm>> -> memref<1024xi32, #tpu.memory_space<hbm>>
    tpu.enqueue_dma source(%dma_start3A_4 : memref<1024xi32, #tpu.memory_space<hbm>>) target(%arg7 : memref<1024xi32, #tpu.memory_space<vmem>>) target_semaphore(%arg11 : memref<!tpu.dma_semaphore, #tpu.memory_space<semaphore_mem>>)
    %dma_start3A_5 = tpu.memref_slice %arg2[%mul3A_0, %add3A_3] : memref<256x53248xf32, #tpu.memory_space<hbm>> -> memref<16x1024xf32, #tpu.memory_space<hbm>>
    %dma_start3A_6 = tpu.memref_slice %arg2[%mul3A_0, %add3A_3] : memref<256x53248xf32, #tpu.memory_space<hbm>> -> memref<16x1024xf32, #tpu.memory_space<hbm>>
    tpu.enqueue_dma source(%dma_start3A_6 : memref<16x1024xf32, #tpu.memory_space<hbm>>) target(%arg9 : memref<16x1024xf32, #tpu.memory_space<vmem>>) target_semaphore(%arg11 : memref<!tpu.dma_semaphore, #tpu.memory_space<semaphore_mem>>)
    %scan3A = arith.constant 0 : i32
    %scan3A_7 = arith.constant 13 : i32
    %scan3A_8 = arith.addi %scan3A, %scan3A_7 : i32
    %scan3A_9 = arith.constant 1 : i32
    scf.for %scan3A_11 = %scan3A to %scan3A_8 step %scan3A_9  : i32 {
      %mul3A_12 = arith.constant 1 : i32
      %mul3A_13 = arith.muli %scan3A_11, %mul3A_12 : i32
      %add3A_14 = arith.constant 0 : i32
      %add3A_15 = arith.addi %add3A_14, %mul3A_13 : i32
      %mul3A_16 = arith.constant 2 : i32
      %mul3A_17 = arith.muli %add3A_15, %mul3A_16 : i32
      %add3A_18 = arith.constant 1 : i32
      %add3A_19 = arith.addi %mul3A_17, %add3A_18 : i32
      %mul3A_20 = arith.constant 1024 : i32
      %mul3A_21 = arith.muli %add3A_19, %mul3A_20 : i32
      %add3A_22 = arith.addi %mul3A_2, %mul3A_21 : i32
      %dma_start3A_23 = tpu.memref_slice %arg3[%add3A_22] : memref<53248xi32, #tpu.memory_space<hbm>> -> memref<1024xi32, #tpu.memory_space<hbm>>
      %dma_start3A_24 = tpu.memref_slice %arg3[%add3A_22] : memref<53248xi32, #tpu.memory_space<hbm>> -> memref<1024xi32, #tpu.memory_space<hbm>>
      tpu.enqueue_dma source(%dma_start3A_24 : memref<1024xi32, #tpu.memory_space<hbm>>) target(%arg8 : memref<1024xi32, #tpu.memory_space<vmem>>) target_semaphore(%arg12 : memref<!tpu.dma_semaphore, #tpu.memory_space<semaphore_mem>>)
      %dma_start3A_25 = tpu.memref_slice %arg2[%mul3A_0, %add3A_22] : memref<256x53248xf32, #tpu.memory_space<hbm>> -> memref<16x1024xf32, #tpu.memory_space<hbm>>
      %dma_start3A_26 = tpu.memref_slice %arg2[%mul3A_0, %add3A_22] : memref<256x53248xf32, #tpu.memory_space<hbm>> -> memref<16x1024xf32, #tpu.memory_space<hbm>>
      tpu.enqueue_dma source(%dma_start3A_26 : memref<16x1024xf32, #tpu.memory_space<hbm>>) target(%arg10 : memref<16x1024xf32, #tpu.memory_space<vmem>>) target_semaphore(%arg12 : memref<!tpu.dma_semaphore, #tpu.memory_space<semaphore_mem>>)
      %mul3A_27 = arith.constant 1024 : i32
      %mul3A_28 = arith.muli %mul3A_17, %mul3A_27 : i32
      %add3A_29 = arith.addi %mul3A_2, %mul3A_28 : i32
      %dma_wait3A = tpu.memref_slice %arg3[%add3A_29] : memref<53248xi32, #tpu.memory_space<hbm>> -> memref<1024xi32, #tpu.memory_space<hbm>>
      %dma_wait3A_30 = tpu.memref_slice %arg3[%add3A_29] : memref<53248xi32, #tpu.memory_space<hbm>> -> memref<1024xi32, #tpu.memory_space<hbm>>
      tpu.wait_dma2 semaphore(%arg11 : memref<!tpu.dma_semaphore, #tpu.memory_space<semaphore_mem>>) src(%dma_wait3A_30 : memref<1024xi32, #tpu.memory_space<hbm>>) dst(%arg7 : memref<1024xi32, #tpu.memory_space<vmem>>)
      %dma_wait3A_31 = tpu.memref_slice %arg2[%mul3A_0, %add3A_29] : memref<256x53248xf32, #tpu.memory_space<hbm>> -> memref<16x1024xf32, #tpu.memory_space<hbm>>
      %dma_wait3A_32 = tpu.memref_slice %arg2[%mul3A_0, %add3A_29] : memref<256x53248xf32, #tpu.memory_space<hbm>> -> memref<16x1024xf32, #tpu.memory_space<hbm>>
      tpu.wait_dma2 semaphore(%arg11 : memref<!tpu.dma_semaphore, #tpu.memory_space<semaphore_mem>>) src(%dma_wait3A_32 : memref<16x1024xf32, #tpu.memory_space<hbm>>) dst(%arg9 : memref<16x1024xf32, #tpu.memory_space<vmem>>)
      %scan3A_33 = arith.constant 0 : i32
      %scan3A_34 = arith.constant 64 : i32
      %scan3A_35 = arith.addi %scan3A_33, %scan3A_34 : i32
      %scan3A_36 = arith.constant 1 : i32
      scf.for %scan3A_56 = %scan3A_33 to %scan3A_35 step %scan3A_36  : i32 {
        %mul3A_57 = arith.constant 1 : i32
        %mul3A_58 = arith.muli %scan3A_56, %mul3A_57 : i32
        %add3A_59 = arith.constant 0 : i32
        %add3A_60 = arith.addi %add3A_59, %mul3A_58 : i32
        %mul3A_61 = arith.constant 16 : i32
        %mul3A_62 = arith.muli %add3A_60, %mul3A_61 : i32
        %get3A = arith.index_cast %mul3A_62 : i32 to index
        %get3A_63 = tpu.vector_load %arg7[%get3A] {strides = array<i32>} : memref<1024xi32, #tpu.memory_space<vmem>>, vector<16xi32>,
        %broadcast_in_dim3A = arith.constant 0 : i32
        %broadcast_in_dim3A_64 = vector.broadcast %broadcast_in_dim3A : i32 to vector<16xi32>
        %mul3A_65 = arith.constant 16 : i32
        %mul3A_66 = arith.muli %add3A_60, %mul3A_65 : i32
        %get3A_67 = arith.constant 0 : i32
        %get3A_68 = arith.index_cast %get3A_67 : i32 to index
        %get3A_69 = arith.index_cast %mul3A_66 : i32 to index
        %get3A_70 = tpu.vector_load %arg9[%get3A_68, %get3A_69] {strides = array<i32>} : memref<16x1024xf32, #tpu.memory_space<vmem>>, vector<16xf32>,
        tpu.vector_store_idx %arg6[%broadcast_in_dim3A_64, %get3A_63], %get3A_70 {add = true} : memref<16x5888xf32, #tpu.memory_space<vmem>>[vector<16xi32>, vector<16xi32>], vector<16xf32>,
        %broadcast_in_dim3A_71 = arith.constant 1 : i32
        %broadcast_in_dim3A_72 = vector.broadcast %broadcast_in_dim3A_71 : i32 to vector<16xi32>
        %mul3A_73 = arith.constant 16 : i32
        %mul3A_74 = arith.muli %add3A_60, %mul3A_73 : i32
        %get3A_75 = arith.constant 1 : i32
        %get3A_76 = arith.index_cast %get3A_75 : i32 to index
        %get3A_77 = arith.index_cast %mul3A_74 : i32 to index
        %get3A_78 = tpu.vector_load %arg9[%get3A_76, %get3A_77] {strides = array<i32>} : memref<16x1024xf32, #tpu.memory_space<vmem>>, vector<16xf32>,
        tpu.vector_store_idx %arg6[%broadcast_in_dim3A_72, %get3A_63], %get3A_78 {add = true} : memref<16x5888xf32, #tpu.memory_space<vmem>>[vector<16xi32>, vector<16xi32>], vector<16xf32>,
        %broadcast_in_dim3A_79 = arith.constant 2 : i32
        %broadcast_in_dim3A_80 = vector.broadcast %broadcast_in_dim3A_79 : i32 to vector<16xi32>
        %mul3A_81 = arith.constant 16 : i32
        %mul3A_82 = arith.muli %add3A_60, %mul3A_81 : i32
        %get3A_83 = arith.constant 2 : i32
        %get3A_84 = arith.index_cast %get3A_83 : i32 to index
        %get3A_85 = arith.index_cast %mul3A_82 : i32 to index
        %get3A_86 = tpu.vector_load %arg9[%get3A_84, %get3A_85] {strides = array<i32>} : memref<16x1024xf32, #tpu.memory_space<vmem>>, vector<16xf32>,
        tpu.vector_store_idx %arg6[%broadcast_in_dim3A_80, %get3A_63], %get3A_86 {add = true} : memref<16x5888xf32, #tpu.memory_space<vmem>>[vector<16xi32>, vector<16xi32>], vector<16xf32>,
        %broadcast_in_dim3A_87 = arith.constant 3 : i32
        %broadcast_in_dim3A_88 = vector.broadcast %broadcast_in_dim3A_87 : i32 to vector<16xi32>
        %mul3A_89 = arith.constant 16 : i32
        %mul3A_90 = arith.muli %add3A_60, %mul3A_89 : i32
        %get3A_91 = arith.constant 3 : i32
        %get3A_92 = arith.index_cast %get3A_91 : i32 to index
        %get3A_93 = arith.index_cast %mul3A_90 : i32 to index
        %get3A_94 = tpu.vector_load %arg9[%get3A_92, %get3A_93] {strides = array<i32>} : memref<16x1024xf32, #tpu.memory_space<vmem>>, vector<16xf32>,
        tpu.vector_store_idx %arg6[%broadcast_in_dim3A_88, %get3A_63], %get3A_94 {add = true} : memref<16x5888xf32, #tpu.memory_space<vmem>>[vector<16xi32>, vector<16xi32>], vector<16xf32>,
        %broadcast_in_dim3A_95 = arith.constant 4 : i32
        %broadcast_in_dim3A_96 = vector.broadcast %broadcast_in_dim3A_95 : i32 to vector<16xi32>
        %mul3A_97 = arith.constant 16 : i32
        %mul3A_98 = arith.muli %add3A_60, %mul3A_97 : i32
        %get3A_99 = arith.constant 4 : i32
        %get3A_100 = arith.index_cast %get3A_99 : i32 to index
        %get3A_101 = arith.index_cast %mul3A_98 : i32 to index
        %get3A_102 = tpu.vector_load %arg9[%get3A_100, %get3A_101] {strides = array<i32>} : memref<16x1024xf32, #tpu.memory_space<vmem>>, vector<16xf32>,
        tpu.vector_store_idx %arg6[%broadcast_in_dim3A_96, %get3A_63], %get3A_102 {add = true} : memref<16x5888xf32, #tpu.memory_space<vmem>>[vector<16xi32>, vector<16xi32>], vector<16xf32>,
        %broadcast_in_dim3A_103 = arith.constant 5 : i32
        %broadcast_in_dim3A_104 = vector.broadcast %broadcast_in_dim3A_103 : i32 to vector<16xi32>
        %mul3A_105 = arith.constant 16 : i32
        %mul3A_106 = arith.muli %add3A_60, %mul3A_105 : i32
        %get3A_107 = arith.constant 5 : i32
        %get3A_108 = arith.index_cast %get3A_107 : i32 to index
        %get3A_109 = arith.index_cast %mul3A_106 : i32 to index
        %get3A_110 = tpu.vector_load %arg9[%get3A_108, %get3A_109] {strides = array<i32>} : memref<16x1024xf32, #tpu.memory_space<vmem>>, vector<16xf32>,
        tpu.vector_store_idx %arg6[%broadcast_in_dim3A_104, %get3A_63], %get3A_110 {add = true} : memref<16x5888xf32, #tpu.memory_space<vmem>>[vector<16xi32>, vector<16xi32>], vector<16xf32>,
        %broadcast_in_dim3A_111 = arith.constant 6 : i32
        %broadcast_in_dim3A_112 = vector.broadcast %broadcast_in_dim3A_111 : i32 to vector<16xi32>
        %mul3A_113 = arith.constant 16 : i32
        %mul3A_114 = arith.muli %add3A_60, %mul3A_113 : i32
        %get3A_115 = arith.constant 6 : i32
        %get3A_116 = arith.index_cast %get3A_115 : i32 to index
        %get3A_117 = arith.index_cast %mul3A_114 : i32 to index
        %get3A_118 = tpu.vector_load %arg9[%get3A_116, %get3A_117] {strides = array<i32>} : memref<16x1024xf32, #tpu.memory_space<vmem>>, vector<16xf32>,
        tpu.vector_store_idx %arg6[%broadcast_in_dim3A_112, %get3A_63], %get3A_118 {add = true} : memref<16x5888xf32, #tpu.memory_space<vmem>>[vector<16xi32>, vector<16xi32>], vector<16xf32>,
        %broadcast_in_dim3A_119 = arith.constant 7 : i32
        %broadcast_in_dim3A_120 = vector.broadcast %broadcast_in_dim3A_119 : i32 to vector<16xi32>
        %mul3A_121 = arith.constant 16 : i32
        %mul3A_122 = arith.muli %add3A_60, %mul3A_121 : i32
        %get3A_123 = arith.constant 7 : i32
        %get3A_124 = arith.index_cast %get3A_123 : i32 to index
        %get3A_125 = arith.index_cast %mul3A_122 : i32 to index
        %get3A_126 = tpu.vector_load %arg9[%get3A_124, %get3A_125] {strides = array<i32>} : memref<16x1024xf32, #tpu.memory_space<vmem>>, vector<16xf32>,
        tpu.vector_store_idx %arg6[%broadcast_in_dim3A_120, %get3A_63], %get3A_126 {add = true} : memref<16x5888xf32, #tpu.memory_space<vmem>>[vector<16xi32>, vector<16xi32>], vector<16xf32>,
        %broadcast_in_dim3A_127 = arith.constant 8 : i32
        %broadcast_in_dim3A_128 = vector.broadcast %broadcast_in_dim3A_127 : i32 to vector<16xi32>
        %mul3A_129 = arith.constant 16 : i32
        %mul3A_130 = arith.muli %add3A_60, %mul3A_129 : i32
        %get3A_131 = arith.constant 8 : i32
        %get3A_132 = arith.index_cast %get3A_131 : i32 to index
        %get3A_133 = arith.index_cast %mul3A_130 : i32 to index
        %get3A_134 = tpu.vector_load %arg9[%get3A_132, %get3A_133] {strides = array<i32>} : memref<16x1024xf32, #tpu.memory_space<vmem>>, vector<16xf32>,
        tpu.vector_store_idx %arg6[%broadcast_in_dim3A_128, %get3A_63], %get3A_134 {add = true} : memref<16x5888xf32, #tpu.memory_space<vmem>>[vector<16xi32>, vector<16xi32>], vector<16xf32>,
        %broadcast_in_dim3A_135 = arith.constant 9 : i32
        %broadcast_in_dim3A_136 = vector.broadcast %broadcast_in_dim3A_135 : i32 to vector<16xi32>
        %mul3A_137 = arith.constant 16 : i32
        %mul3A_138 = arith.muli %add3A_60, %mul3A_137 : i32
        %get3A_139 = arith.constant 9 : i32
        %get3A_140 = arith.index_cast %get3A_139 : i32 to index
        %get3A_141 = arith.index_cast %mul3A_138 : i32 to index
        %get3A_142 = tpu.vector_load %arg9[%get3A_140, %get3A_141] {strides = array<i32>} : memref<16x1024xf32, #tpu.memory_space<vmem>>, vector<16xf32>,
        tpu.vector_store_idx %arg6[%broadcast_in_dim3A_136, %get3A_63], %get3A_142 {add = true} : memref<16x5888xf32, #tpu.memory_space<vmem>>[vector<16xi32>, vector<16xi32>], vector<16xf32>,
        %broadcast_in_dim3A_143 = arith.constant 10 : i32
        %broadcast_in_dim3A_144 = vector.broadcast %broadcast_in_dim3A_143 : i32 to vector<16xi32>
        %mul3A_145 = arith.constant 16 : i32
        %mul3A_146 = arith.muli %add3A_60, %mul3A_145 : i32
        %get3A_147 = arith.constant 10 : i32
        %get3A_148 = arith.index_cast %get3A_147 : i32 to index
        %get3A_149 = arith.index_cast %mul3A_146 : i32 to index
        %get3A_150 = tpu.vector_load %arg9[%get3A_148, %get3A_149] {strides = array<i32>} : memref<16x1024xf32, #tpu.memory_space<vmem>>, vector<16xf32>,
        tpu.vector_store_idx %arg6[%broadcast_in_dim3A_144, %get3A_63], %get3A_150 {add = true} : memref<16x5888xf32, #tpu.memory_space<vmem>>[vector<16xi32>, vector<16xi32>], vector<16xf32>,
        %broadcast_in_dim3A_151 = arith.constant 11 : i32
        %broadcast_in_dim3A_152 = vector.broadcast %broadcast_in_dim3A_151 : i32 to vector<16xi32>
        %mul3A_153 = arith.constant 16 : i32
        %mul3A_154 = arith.muli %add3A_60, %mul3A_153 : i32
        %get3A_155 = arith.constant 11 : i32
        %get3A_156 = arith.index_cast %get3A_155 : i32 to index
        %get3A_157 = arith.index_cast %mul3A_154 : i32 to index
        %get3A_158 = tpu.vector_load %arg9[%get3A_156, %get3A_157] {strides = array<i32>} : memref<16x1024xf32, #tpu.memory_space<vmem>>, vector<16xf32>,
        tpu.vector_store_idx %arg6[%broadcast_in_dim3A_152, %get3A_63], %get3A_158 {add = true} : memref<16x5888xf32, #tpu.memory_space<vmem>>[vector<16xi32>, vector<16xi32>], vector<16xf32>,
        %broadcast_in_dim3A_159 = arith.constant 12 : i32
        %broadcast_in_dim3A_160 = vector.broadcast %broadcast_in_dim3A_159 : i32 to vector<16xi32>
        %mul3A_161 = arith.constant 16 : i32
        %mul3A_162 = arith.muli %add3A_60, %mul3A_161 : i32
        %get3A_163 = arith.constant 12 : i32
        %get3A_164 = arith.index_cast %get3A_163 : i32 to index
        %get3A_165 = arith.index_cast %mul3A_162 : i32 to index
        %get3A_166 = tpu.vector_load %arg9[%get3A_164, %get3A_165] {strides = array<i32>} : memref<16x1024xf32, #tpu.memory_space<vmem>>, vector<16xf32>,
        tpu.vector_store_idx %arg6[%broadcast_in_dim3A_160, %get3A_63], %get3A_166 {add = true} : memref<16x5888xf32, #tpu.memory_space<vmem>>[vector<16xi32>, vector<16xi32>], vector<16xf32>,
        %broadcast_in_dim3A_167 = arith.constant 13 : i32
        %broadcast_in_dim3A_168 = vector.broadcast %broadcast_in_dim3A_167 : i32 to vector<16xi32>
        %mul3A_169 = arith.constant 16 : i32
        %mul3A_170 = arith.muli %add3A_60, %mul3A_169 : i32
        %get3A_171 = arith.constant 13 : i32
        %get3A_172 = arith.index_cast %get3A_171 : i32 to index
        %get3A_173 = arith.index_cast %mul3A_170 : i32 to index
        %get3A_174 = tpu.vector_load %arg9[%get3A_172, %get3A_173] {strides = array<i32>} : memref<16x1024xf32, #tpu.memory_space<vmem>>, vector<16xf32>,
        tpu.vector_store_idx %arg6[%broadcast_in_dim3A_168, %get3A_63], %get3A_174 {add = true} : memref<16x5888xf32, #tpu.memory_space<vmem>>[vector<16xi32>, vector<16xi32>], vector<16xf32>,
        %broadcast_in_dim3A_175 = arith.constant 14 : i32
        %broadcast_in_dim3A_176 = vector.broadcast %broadcast_in_dim3A_175 : i32 to vector<16xi32>
        %mul3A_177 = arith.constant 16 : i32
        %mul3A_178 = arith.muli %add3A_60, %mul3A_177 : i32
        %get3A_179 = arith.constant 14 : i32
        %get3A_180 = arith.index_cast %get3A_179 : i32 to index
        %get3A_181 = arith.index_cast %mul3A_178 : i32 to index
        %get3A_182 = tpu.vector_load %arg9[%get3A_180, %get3A_181] {strides = array<i32>} : memref<16x1024xf32, #tpu.memory_space<vmem>>, vector<16xf32>,
        tpu.vector_store_idx %arg6[%broadcast_in_dim3A_176, %get3A_63], %get3A_182 {add = true} : memref<16x5888xf32, #tpu.memory_space<vmem>>[vector<16xi32>, vector<16xi32>], vector<16xf32>,
        %broadcast_in_dim3A_183 = arith.constant 15 : i32
        %broadcast_in_dim3A_184 = vector.broadcast %broadcast_in_dim3A_183 : i32 to vector<16xi32>
        %mul3A_185 = arith.constant 16 : i32
        %mul3A_186 = arith.muli %add3A_60, %mul3A_185 : i32
        %get3A_187 = arith.constant 15 : i32
        %get3A_188 = arith.index_cast %get3A_187 : i32 to index
        %get3A_189 = arith.index_cast %mul3A_186 : i32 to index
        %get3A_190 = tpu.vector_load %arg9[%get3A_188, %get3A_189] {strides = array<i32>} : memref<16x1024xf32, #tpu.memory_space<vmem>>, vector<16xf32>,
        tpu.vector_store_idx %arg6[%broadcast_in_dim3A_184, %get3A_63], %get3A_190 {add = true} : memref<16x5888xf32, #tpu.memory_space<vmem>>[vector<16xi32>, vector<16xi32>], vector<16xf32>,
      }
      %scan3A_37 = arith.constant 64 : i32
      %add3A_38 = arith.constant 2 : i32
      %add3A_39 = arith.addi %mul3A_17, %add3A_38 : i32
      %lt3A = arith.constant 26 : i32
      %lt3A_40 = arith.cmpi slt, %add3A_39, %lt3A : i32
      %convert_element_type3A = arith.extui %lt3A_40 : i1 to i32
      %cond3A = arith.constant 0 : i32
      %cond3A_41 = arith.cmpi ne, %convert_element_type3A, %cond3A : i32
      scf.if %cond3A_41 {
        %add3A_56 = arith.constant 2 : i32
        %add3A_57 = arith.addi %mul3A_17, %add3A_56 : i32
        %mul3A_58 = arith.constant 1024 : i32
        %mul3A_59 = arith.muli %add3A_57, %mul3A_58 : i32
        %add3A_60 = arith.addi %mul3A_2, %mul3A_59 : i32
        %dma_start3A_61 = tpu.memref_slice %arg3[%add3A_60] : memref<53248xi32, #tpu.memory_space<hbm>> -> memref<1024xi32, #tpu.memory_space<hbm>>
        %dma_start3A_62 = tpu.memref_slice %arg3[%add3A_60] : memref<53248xi32, #tpu.memory_space<hbm>> -> memref<1024xi32, #tpu.memory_space<hbm>>
        tpu.enqueue_dma source(%dma_start3A_62 : memref<1024xi32, #tpu.memory_space<hbm>>) target(%arg7 : memref<1024xi32, #tpu.memory_space<vmem>>) target_semaphore(%arg11 : memref<!tpu.dma_semaphore, #tpu.memory_space<semaphore_mem>>)
        %dma_start3A_63 = tpu.memref_slice %arg2[%mul3A_0, %add3A_60] : memref<256x53248xf32, #tpu.memory_space<hbm>> -> memref<16x1024xf32, #tpu.memory_space<hbm>>
        %dma_start3A_64 = tpu.memref_slice %arg2[%mul3A_0, %add3A_60] : memref<256x53248xf32, #tpu.memory_space<hbm>> -> memref<16x1024xf32, #tpu.memory_space<hbm>>
        tpu.enqueue_dma source(%dma_start3A_64 : memref<16x1024xf32, #tpu.memory_space<hbm>>) target(%arg9 : memref<16x1024xf32, #tpu.memory_space<vmem>>) target_semaphore(%arg11 : memref<!tpu.dma_semaphore, #tpu.memory_space<semaphore_mem>>)
      } else {
      }
      %add3A_42 = arith.constant 1 : i32
      %add3A_43 = arith.addi %mul3A_17, %add3A_42 : i32
      %mul3A_44 = arith.constant 1024 : i32
      %mul3A_45 = arith.muli %add3A_43, %mul3A_44 : i32
      %add3A_46 = arith.addi %mul3A_2, %mul3A_45 : i32
      %dma_wait3A_47 = tpu.memref_slice %arg3[%add3A_46] : memref<53248xi32, #tpu.memory_space<hbm>> -> memref<1024xi32, #tpu.memory_space<hbm>>
      %dma_wait3A_48 = tpu.memref_slice %arg3[%add3A_46] : memref<53248xi32, #tpu.memory_space<hbm>> -> memref<1024xi32, #tpu.memory_space<hbm>>
      tpu.wait_dma2 semaphore(%arg12 : memref<!tpu.dma_semaphore, #tpu.memory_space<semaphore_mem>>) src(%dma_wait3A_48 : memref<1024xi32, #tpu.memory_space<hbm>>) dst(%arg8 : memref<1024xi32, #tpu.memory_space<vmem>>)
      %dma_wait3A_49 = tpu.memref_slice %arg2[%mul3A_0, %add3A_46] : memref<256x53248xf32, #tpu.memory_space<hbm>> -> memref<16x1024xf32, #tpu.memory_space<hbm>>
      %dma_wait3A_50 = tpu.memref_slice %arg2[%mul3A_0, %add3A_46] : memref<256x53248xf32, #tpu.memory_space<hbm>> -> memref<16x1024xf32, #tpu.memory_space<hbm>>
      tpu.wait_dma2 semaphore(%arg12 : memref<!tpu.dma_semaphore, #tpu.memory_space<semaphore_mem>>) src(%dma_wait3A_50 : memref<16x1024xf32, #tpu.memory_space<hbm>>) dst(%arg10 : memref<16x1024xf32, #tpu.memory_space<vmem>>)
      %scan3A_51 = arith.constant 0 : i32
      %scan3A_52 = arith.constant 64 : i32
      %scan3A_53 = arith.addi %scan3A_51, %scan3A_52 : i32
      %scan3A_54 = arith.constant 1 : i32
      scf.for %scan3A_56 = %scan3A_51 to %scan3A_53 step %scan3A_54  : i32 {
        %mul3A_57 = arith.constant 1 : i32
        %mul3A_58 = arith.muli %scan3A_56, %mul3A_57 : i32
        %add3A_59 = arith.constant 0 : i32
        %add3A_60 = arith.addi %add3A_59, %mul3A_58 : i32
        %mul3A_61 = arith.constant 16 : i32
        %mul3A_62 = arith.muli %add3A_60, %mul3A_61 : i32
        %get3A = arith.index_cast %mul3A_62 : i32 to index
        %get3A_63 = tpu.vector_load %arg8[%get3A] {strides = array<i32>} : memref<1024xi32, #tpu.memory_space<vmem>>, vector<16xi32>,
        %broadcast_in_dim3A = arith.constant 0 : i32
        %broadcast_in_dim3A_64 = vector.broadcast %broadcast_in_dim3A : i32 to vector<16xi32>
        %mul3A_65 = arith.constant 16 : i32
        %mul3A_66 = arith.muli %add3A_60, %mul3A_65 : i32
        %get3A_67 = arith.constant 0 : i32
        %get3A_68 = arith.index_cast %get3A_67 : i32 to index
        %get3A_69 = arith.index_cast %mul3A_66 : i32 to index
        %get3A_70 = tpu.vector_load %arg10[%get3A_68, %get3A_69] {strides = array<i32>} : memref<16x1024xf32, #tpu.memory_space<vmem>>, vector<16xf32>,
        tpu.vector_store_idx %arg6[%broadcast_in_dim3A_64, %get3A_63], %get3A_70 {add = true} : memref<16x5888xf32, #tpu.memory_space<vmem>>[vector<16xi32>, vector<16xi32>], vector<16xf32>,
        %broadcast_in_dim3A_71 = arith.constant 1 : i32
        %broadcast_in_dim3A_72 = vector.broadcast %broadcast_in_dim3A_71 : i32 to vector<16xi32>
        %mul3A_73 = arith.constant 16 : i32
        %mul3A_74 = arith.muli %add3A_60, %mul3A_73 : i32
        %get3A_75 = arith.constant 1 : i32
        %get3A_76 = arith.index_cast %get3A_75 : i32 to index
        %get3A_77 = arith.index_cast %mul3A_74 : i32 to index
        %get3A_78 = tpu.vector_load %arg10[%get3A_76, %get3A_77] {strides = array<i32>} : memref<16x1024xf32, #tpu.memory_space<vmem>>, vector<16xf32>,
        tpu.vector_store_idx %arg6[%broadcast_in_dim3A_72, %get3A_63], %get3A_78 {add = true} : memref<16x5888xf32, #tpu.memory_space<vmem>>[vector<16xi32>, vector<16xi32>], vector<16xf32>,
        %broadcast_in_dim3A_79 = arith.constant 2 : i32
        %broadcast_in_dim3A_80 = vector.broadcast %broadcast_in_dim3A_79 : i32 to vector<16xi32>
        %mul3A_81 = arith.constant 16 : i32
        %mul3A_82 = arith.muli %add3A_60, %mul3A_81 : i32
        %get3A_83 = arith.constant 2 : i32
        %get3A_84 = arith.index_cast %get3A_83 : i32 to index
        %get3A_85 = arith.index_cast %mul3A_82 : i32 to index
        %get3A_86 = tpu.vector_load %arg10[%get3A_84, %get3A_85] {strides = array<i32>} : memref<16x1024xf32, #tpu.memory_space<vmem>>, vector<16xf32>,
        tpu.vector_store_idx %arg6[%broadcast_in_dim3A_80, %get3A_63], %get3A_86 {add = true} : memref<16x5888xf32, #tpu.memory_space<vmem>>[vector<16xi32>, vector<16xi32>], vector<16xf32>,
        %broadcast_in_dim3A_87 = arith.constant 3 : i32
        %broadcast_in_dim3A_88 = vector.broadcast %broadcast_in_dim3A_87 : i32 to vector<16xi32>
        %mul3A_89 = arith.constant 16 : i32
        %mul3A_90 = arith.muli %add3A_60, %mul3A_89 : i32
        %get3A_91 = arith.constant 3 : i32
        %get3A_92 = arith.index_cast %get3A_91 : i32 to index
        %get3A_93 = arith.index_cast %mul3A_90 : i32 to index
        %get3A_94 = tpu.vector_load %arg10[%get3A_92, %get3A_93] {strides = array<i32>} : memref<16x1024xf32, #tpu.memory_space<vmem>>, vector<16xf32>,
        tpu.vector_store_idx %arg6[%broadcast_in_dim3A_88, %get3A_63], %get3A_94 {add = true} : memref<16x5888xf32, #tpu.memory_space<vmem>>[vector<16xi32>, vector<16xi32>], vector<16xf32>,
        %broadcast_in_dim3A_95 = arith.constant 4 : i32
        %broadcast_in_dim3A_96 = vector.broadcast %broadcast_in_dim3A_95 : i32 to vector<16xi32>
        %mul3A_97 = arith.constant 16 : i32
        %mul3A_98 = arith.muli %add3A_60, %mul3A_97 : i32
        %get3A_99 = arith.constant 4 : i32
        %get3A_100 = arith.index_cast %get3A_99 : i32 to index
        %get3A_101 = arith.index_cast %mul3A_98 : i32 to index
        %get3A_102 = tpu.vector_load %arg10[%get3A_100, %get3A_101] {strides = array<i32>} : memref<16x1024xf32, #tpu.memory_space<vmem>>, vector<16xf32>,
        tpu.vector_store_idx %arg6[%broadcast_in_dim3A_96, %get3A_63], %get3A_102 {add = true} : memref<16x5888xf32, #tpu.memory_space<vmem>>[vector<16xi32>, vector<16xi32>], vector<16xf32>,
        %broadcast_in_dim3A_103 = arith.constant 5 : i32
        %broadcast_in_dim3A_104 = vector.broadcast %broadcast_in_dim3A_103 : i32 to vector<16xi32>
        %mul3A_105 = arith.constant 16 : i32
        %mul3A_106 = arith.muli %add3A_60, %mul3A_105 : i32
        %get3A_107 = arith.constant 5 : i32
        %get3A_108 = arith.index_cast %get3A_107 : i32 to index
        %get3A_109 = arith.index_cast %mul3A_106 : i32 to index
        %get3A_110 = tpu.vector_load %arg10[%get3A_108, %get3A_109] {strides = array<i32>} : memref<16x1024xf32, #tpu.memory_space<vmem>>, vector<16xf32>,
        tpu.vector_store_idx %arg6[%broadcast_in_dim3A_104, %get3A_63], %get3A_110 {add = true} : memref<16x5888xf32, #tpu.memory_space<vmem>>[vector<16xi32>, vector<16xi32>], vector<16xf32>,
        %broadcast_in_dim3A_111 = arith.constant 6 : i32
        %broadcast_in_dim3A_112 = vector.broadcast %broadcast_in_dim3A_111 : i32 to vector<16xi32>
        %mul3A_113 = arith.constant 16 : i32
        %mul3A_114 = arith.muli %add3A_60, %mul3A_113 : i32
        %get3A_115 = arith.constant 6 : i32
        %get3A_116 = arith.index_cast %get3A_115 : i32 to index
        %get3A_117 = arith.index_cast %mul3A_114 : i32 to index
        %get3A_118 = tpu.vector_load %arg10[%get3A_116, %get3A_117] {strides = array<i32>} : memref<16x1024xf32, #tpu.memory_space<vmem>>, vector<16xf32>,
        tpu.vector_store_idx %arg6[%broadcast_in_dim3A_112, %get3A_63], %get3A_118 {add = true} : memref<16x5888xf32, #tpu.memory_space<vmem>>[vector<16xi32>, vector<16xi32>], vector<16xf32>,
        %broadcast_in_dim3A_119 = arith.constant 7 : i32
        %broadcast_in_dim3A_120 = vector.broadcast %broadcast_in_dim3A_119 : i32 to vector<16xi32>
        %mul3A_121 = arith.constant 16 : i32
        %mul3A_122 = arith.muli %add3A_60, %mul3A_121 : i32
        %get3A_123 = arith.constant 7 : i32
        %get3A_124 = arith.index_cast %get3A_123 : i32 to index
        %get3A_125 = arith.index_cast %mul3A_122 : i32 to index
        %get3A_126 = tpu.vector_load %arg10[%get3A_124, %get3A_125] {strides = array<i32>} : memref<16x1024xf32, #tpu.memory_space<vmem>>, vector<16xf32>,
        tpu.vector_store_idx %arg6[%broadcast_in_dim3A_120, %get3A_63], %get3A_126 {add = true} : memref<16x5888xf32, #tpu.memory_space<vmem>>[vector<16xi32>, vector<16xi32>], vector<16xf32>,
        %broadcast_in_dim3A_127 = arith.constant 8 : i32
        %broadcast_in_dim3A_128 = vector.broadcast %broadcast_in_dim3A_127 : i32 to vector<16xi32>
        %mul3A_129 = arith.constant 16 : i32
        %mul3A_130 = arith.muli %add3A_60, %mul3A_129 : i32
        %get3A_131 = arith.constant 8 : i32
        %get3A_132 = arith.index_cast %get3A_131 : i32 to index
        %get3A_133 = arith.index_cast %mul3A_130 : i32 to index
        %get3A_134 = tpu.vector_load %arg10[%get3A_132, %get3A_133] {strides = array<i32>} : memref<16x1024xf32, #tpu.memory_space<vmem>>, vector<16xf32>,
        tpu.vector_store_idx %arg6[%broadcast_in_dim3A_128, %get3A_63], %get3A_134 {add = true} : memref<16x5888xf32, #tpu.memory_space<vmem>>[vector<16xi32>, vector<16xi32>], vector<16xf32>,
        %broadcast_in_dim3A_135 = arith.constant 9 : i32
        %broadcast_in_dim3A_136 = vector.broadcast %broadcast_in_dim3A_135 : i32 to vector<16xi32>
        %mul3A_137 = arith.constant 16 : i32
        %mul3A_138 = arith.muli %add3A_60, %mul3A_137 : i32
        %get3A_139 = arith.constant 9 : i32
        %get3A_140 = arith.index_cast %get3A_139 : i32 to index
        %get3A_141 = arith.index_cast %mul3A_138 : i32 to index
        %get3A_142 = tpu.vector_load %arg10[%get3A_140, %get3A_141] {strides = array<i32>} : memref<16x1024xf32, #tpu.memory_space<vmem>>, vector<16xf32>,
        tpu.vector_store_idx %arg6[%broadcast_in_dim3A_136, %get3A_63], %get3A_142 {add = true} : memref<16x5888xf32, #tpu.memory_space<vmem>>[vector<16xi32>, vector<16xi32>], vector<16xf32>,
        %broadcast_in_dim3A_143 = arith.constant 10 : i32
        %broadcast_in_dim3A_144 = vector.broadcast %broadcast_in_dim3A_143 : i32 to vector<16xi32>
        %mul3A_145 = arith.constant 16 : i32
        %mul3A_146 = arith.muli %add3A_60, %mul3A_145 : i32
        %get3A_147 = arith.constant 10 : i32
        %get3A_148 = arith.index_cast %get3A_147 : i32 to index
        %get3A_149 = arith.index_cast %mul3A_146 : i32 to index
        %get3A_150 = tpu.vector_load %arg10[%get3A_148, %get3A_149] {strides = array<i32>} : memref<16x1024xf32, #tpu.memory_space<vmem>>, vector<16xf32>,
        tpu.vector_store_idx %arg6[%broadcast_in_dim3A_144, %get3A_63], %get3A_150 {add = true} : memref<16x5888xf32, #tpu.memory_space<vmem>>[vector<16xi32>, vector<16xi32>], vector<16xf32>,
        %broadcast_in_dim3A_151 = arith.constant 11 : i32
        %broadcast_in_dim3A_152 = vector.broadcast %broadcast_in_dim3A_151 : i32 to vector<16xi32>
        %mul3A_153 = arith.constant 16 : i32
        %mul3A_154 = arith.muli %add3A_60, %mul3A_153 : i32
        %get3A_155 = arith.constant 11 : i32
        %get3A_156 = arith.index_cast %get3A_155 : i32 to index
        %get3A_157 = arith.index_cast %mul3A_154 : i32 to index
        %get3A_158 = tpu.vector_load %arg10[%get3A_156, %get3A_157] {strides = array<i32>} : memref<16x1024xf32, #tpu.memory_space<vmem>>, vector<16xf32>,
        tpu.vector_store_idx %arg6[%broadcast_in_dim3A_152, %get3A_63], %get3A_158 {add = true} : memref<16x5888xf32, #tpu.memory_space<vmem>>[vector<16xi32>, vector<16xi32>], vector<16xf32>,
        %broadcast_in_dim3A_159 = arith.constant 12 : i32
        %broadcast_in_dim3A_160 = vector.broadcast %broadcast_in_dim3A_159 : i32 to vector<16xi32>
        %mul3A_161 = arith.constant 16 : i32
        %mul3A_162 = arith.muli %add3A_60, %mul3A_161 : i32
        %get3A_163 = arith.constant 12 : i32
        %get3A_164 = arith.index_cast %get3A_163 : i32 to index
        %get3A_165 = arith.index_cast %mul3A_162 : i32 to index
        %get3A_166 = tpu.vector_load %arg10[%get3A_164, %get3A_165] {strides = array<i32>} : memref<16x1024xf32, #tpu.memory_space<vmem>>, vector<16xf32>,
        tpu.vector_store_idx %arg6[%broadcast_in_dim3A_160, %get3A_63], %get3A_166 {add = true} : memref<16x5888xf32, #tpu.memory_space<vmem>>[vector<16xi32>, vector<16xi32>], vector<16xf32>,
        %broadcast_in_dim3A_167 = arith.constant 13 : i32
        %broadcast_in_dim3A_168 = vector.broadcast %broadcast_in_dim3A_167 : i32 to vector<16xi32>
        %mul3A_169 = arith.constant 16 : i32
        %mul3A_170 = arith.muli %add3A_60, %mul3A_169 : i32
        %get3A_171 = arith.constant 13 : i32
        %get3A_172 = arith.index_cast %get3A_171 : i32 to index
        %get3A_173 = arith.index_cast %mul3A_170 : i32 to index
        %get3A_174 = tpu.vector_load %arg10[%get3A_172, %get3A_173] {strides = array<i32>} : memref<16x1024xf32, #tpu.memory_space<vmem>>, vector<16xf32>,
        tpu.vector_store_idx %arg6[%broadcast_in_dim3A_168, %get3A_63], %get3A_174 {add = true} : memref<16x5888xf32, #tpu.memory_space<vmem>>[vector<16xi32>, vector<16xi32>], vector<16xf32>,
        %broadcast_in_dim3A_175 = arith.constant 14 : i32
        %broadcast_in_dim3A_176 = vector.broadcast %broadcast_in_dim3A_175 : i32 to vector<16xi32>
        %mul3A_177 = arith.constant 16 : i32
        %mul3A_178 = arith.muli %add3A_60, %mul3A_177 : i32
        %get3A_179 = arith.constant 14 : i32
        %get3A_180 = arith.index_cast %get3A_179 : i32 to index
        %get3A_181 = arith.index_cast %mul3A_178 : i32 to index
        %get3A_182 = tpu.vector_load %arg10[%get3A_180, %get3A_181] {strides = array<i32>} : memref<16x1024xf32, #tpu.memory_space<vmem>>, vector<16xf32>,
        tpu.vector_store_idx %arg6[%broadcast_in_dim3A_176, %get3A_63], %get3A_182 {add = true} : memref<16x5888xf32, #tpu.memory_space<vmem>>[vector<16xi32>, vector<16xi32>], vector<16xf32>,
        %broadcast_in_dim3A_183 = arith.constant 15 : i32
        %broadcast_in_dim3A_184 = vector.broadcast %broadcast_in_dim3A_183 : i32 to vector<16xi32>
        %mul3A_185 = arith.constant 16 : i32
        %mul3A_186 = arith.muli %add3A_60, %mul3A_185 : i32
        %get3A_187 = arith.constant 15 : i32
        %get3A_188 = arith.index_cast %get3A_187 : i32 to index
        %get3A_189 = arith.index_cast %mul3A_186 : i32 to index
        %get3A_190 = tpu.vector_load %arg10[%get3A_188, %get3A_189] {strides = array<i32>} : memref<16x1024xf32, #tpu.memory_space<vmem>>, vector<16xf32>,
        tpu.vector_store_idx %arg6[%broadcast_in_dim3A_184, %get3A_63], %get3A_190 {add = true} : memref<16x5888xf32, #tpu.memory_space<vmem>>[vector<16xi32>, vector<16xi32>], vector<16xf32>,
      }
      %scan3A_55 = arith.constant 64 : i32
    }
    %scan3A_10 = arith.constant 13 : i32
    "tpu.region"() ({
      %run_scoped3A = tpu.sem_alloc : memref<!tpu.dma_semaphore, #tpu.memory_space<semaphore_mem>>
      %dma_start3A_11 = arith.constant 0 : i32
      %dma_start3A_12 = tpu.memref_slice %arg5[%arg0, %mul3A_0, %dma_start3A_11] : memref<2x256x5888xf32, #tpu.memory_space<hbm>> -> memref<1x16x5888xf32, #tpu.memory_space<hbm>>
      %dma_start3A_13 = tpu.memref_squeeze %dma_start3A_12 : memref<1x16x5888xf32, #tpu.memory_space<hbm>> -> memref<16x5888xf32, #tpu.memory_space<hbm>>
      %dma_start3A_14 = arith.constant 0 : i32
      %dma_start3A_15 = tpu.memref_slice %arg5[%arg0, %mul3A_0, %dma_start3A_14] : memref<2x256x5888xf32, #tpu.memory_space<hbm>> -> memref<1x16x5888xf32, #tpu.memory_space<hbm>>
      %dma_start3A_16 = tpu.memref_squeeze %dma_start3A_15 : memref<1x16x5888xf32, #tpu.memory_space<hbm>> -> memref<16x5888xf32, #tpu.memory_space<hbm>>
      tpu.enqueue_dma source(%arg6 : memref<16x5888xf32, #tpu.memory_space<vmem>>) target(%dma_start3A_16 : memref<16x5888xf32, #tpu.memory_space<hbm>>) target_semaphore(%run_scoped3A : memref<!tpu.dma_semaphore, #tpu.memory_space<semaphore_mem>>)
      %dma_wait3A = arith.constant 0 : i32
      %dma_wait3A_17 = tpu.memref_slice %arg5[%arg0, %mul3A_0, %dma_wait3A] : memref<2x256x5888xf32, #tpu.memory_space<hbm>> -> memref<1x16x5888xf32, #tpu.memory_space<hbm>>
      %dma_wait3A_18 = tpu.memref_squeeze %dma_wait3A_17 : memref<1x16x5888xf32, #tpu.memory_space<hbm>> -> memref<16x5888xf32, #tpu.memory_space<hbm>>
      %dma_wait3A_19 = arith.constant 0 : i32
      %dma_wait3A_20 = tpu.memref_slice %arg5[%arg0, %mul3A_0, %dma_wait3A_19] : memref<2x256x5888xf32, #tpu.memory_space<hbm>> -> memref<1x16x5888xf32, #tpu.memory_space<hbm>>
      %dma_wait3A_21 = tpu.memref_squeeze %dma_wait3A_20 : memref<1x16x5888xf32, #tpu.memory_space<hbm>> -> memref<16x5888xf32, #tpu.memory_space<hbm>>
      tpu.wait_dma2 semaphore(%run_scoped3A : memref<!tpu.dma_semaphore, #tpu.memory_space<semaphore_mem>>) src(%arg6 : memref<16x5888xf32, #tpu.memory_space<vmem>>) dst(%dma_wait3A_21 : memref<16x5888xf32, #tpu.memory_space<hbm>>)
      tpu.yield
    }) : () -> ()
    return
  }
}

#map = affine_map<(d0, d1) -> (0, 0)>
#map1 = affine_map<(d0, d1) -> (0, 0, 0)>
module attributes {stable_mosaic.version = 14 : i64} {
  func.func @k(%arg0: i32, %arg1: i32, %arg2: memref<5888x256xf32, #tpu.memory_space<hbm>>, %arg3: memref<32x16x128xi32, #tpu.memory_space<hbm>>, %arg4: memref<53248x256xf32, #tpu.memory_space<hbm>>, %arg5: memref<16x128xi32, #tpu.memory_space<vmem>>, %arg6: memref<128x256xf32, #tpu.memory_space<vmem>>, %arg7: memref<128x256xf32, #tpu.memory_space<vmem>>, %arg8: memref<!tpu.dma_semaphore, #tpu.memory_space<semaphore_mem>>, %arg9: memref<!tpu.dma_semaphore, #tpu.memory_space<semaphore_mem>>) attributes {dimension_semantics = [#tpu.dimension_semantics<core_parallel>, #tpu.dimension_semantics<subcore_parallel>], iteration_bounds = array<i64: 2, 16>, scalar_prefetch = 0 : i64, scratch_operands = 5 : i64, tpu.core_type = #tpu.core_type<sc_vector_subcore>, window_params = [{transform_indices = #map}, {transform_indices = #map1}, {transform_indices = #map}]} {
    %mul3A = arith.constant 2 : i32
    %mul3A_0 = arith.muli %arg1, %mul3A : i32
    %add3A = arith.addi %mul3A_0, %arg0 : i32
    "tpu.region"() ({
      %run_scoped3A = tpu.sem_alloc : memref<!tpu.dma_semaphore, #tpu.memory_space<semaphore_mem>>
      %dma_start3A_23 = arith.constant 0 : i32
      %dma_start3A_24 = arith.constant 0 : i32
      %dma_start3A_25 = tpu.memref_slice %arg3[%add3A, %dma_start3A_23, %dma_start3A_24] : memref<32x16x128xi32, #tpu.memory_space<hbm>> -> memref<1x16x128xi32, #tpu.memory_space<hbm>>
      %dma_start3A_26 = tpu.memref_squeeze %dma_start3A_25 : memref<1x16x128xi32, #tpu.memory_space<hbm>> -> memref<16x128xi32, #tpu.memory_space<hbm>>
      %dma_start3A_27 = arith.constant 0 : i32
      %dma_start3A_28 = arith.constant 0 : i32
      %dma_start3A_29 = tpu.memref_slice %arg3[%add3A, %dma_start3A_27, %dma_start3A_28] : memref<32x16x128xi32, #tpu.memory_space<hbm>> -> memref<1x16x128xi32, #tpu.memory_space<hbm>>
      %dma_start3A_30 = tpu.memref_squeeze %dma_start3A_29 : memref<1x16x128xi32, #tpu.memory_space<hbm>> -> memref<16x128xi32, #tpu.memory_space<hbm>>
      tpu.enqueue_dma source(%dma_start3A_30 : memref<16x128xi32, #tpu.memory_space<hbm>>) target(%arg5 : memref<16x128xi32, #tpu.memory_space<vmem>>) target_semaphore(%run_scoped3A : memref<!tpu.dma_semaphore, #tpu.memory_space<semaphore_mem>>)
      %dma_wait3A_31 = arith.constant 0 : i32
      %dma_wait3A_32 = arith.constant 0 : i32
      %dma_wait3A_33 = tpu.memref_slice %arg3[%add3A, %dma_wait3A_31, %dma_wait3A_32] : memref<32x16x128xi32, #tpu.memory_space<hbm>> -> memref<1x16x128xi32, #tpu.memory_space<hbm>>
      %dma_wait3A_34 = tpu.memref_squeeze %dma_wait3A_33 : memref<1x16x128xi32, #tpu.memory_space<hbm>> -> memref<16x128xi32, #tpu.memory_space<hbm>>
      %dma_wait3A_35 = arith.constant 0 : i32
      %dma_wait3A_36 = arith.constant 0 : i32
      %dma_wait3A_37 = tpu.memref_slice %arg3[%add3A, %dma_wait3A_35, %dma_wait3A_36] : memref<32x16x128xi32, #tpu.memory_space<hbm>> -> memref<1x16x128xi32, #tpu.memory_space<hbm>>
      %dma_wait3A_38 = tpu.memref_squeeze %dma_wait3A_37 : memref<1x16x128xi32, #tpu.memory_space<hbm>> -> memref<16x128xi32, #tpu.memory_space<hbm>>
      tpu.wait_dma2 semaphore(%run_scoped3A : memref<!tpu.dma_semaphore, #tpu.memory_space<semaphore_mem>>) src(%dma_wait3A_38 : memref<16x128xi32, #tpu.memory_space<hbm>>) dst(%arg5 : memref<16x128xi32, #tpu.memory_space<vmem>>)
      tpu.yield
    }) : () -> ()
    %mul3A_1 = arith.constant 13 : i32
    %mul3A_2 = arith.muli %add3A, %mul3A_1 : i32
    %mul3A_3 = arith.constant 128 : i32
    %mul3A_4 = arith.muli %mul3A_2, %mul3A_3 : i32
    %dma_start3A = arith.constant 0 : i32
    %dma_start3A_5 = arith.constant 0 : i32
    %dma_start3A_6 = tpu.memref_slice %arg5[%dma_start3A, %dma_start3A_5] : memref<16x128xi32, #tpu.memory_space<vmem>> -> memref<1x128xi32, #tpu.memory_space<vmem>>
    %dma_start3A_7 = tpu.memref_squeeze %dma_start3A_6 : memref<1x128xi32, #tpu.memory_space<vmem>> -> memref<128xi32, #tpu.memory_space<vmem>>
    %dma_start3A_8 = arith.constant 0 : i32
    %dma_start3A_9 = arith.constant 0 : i32
    %dma_start3A_10 = tpu.memref_slice %arg2[%dma_start3A_8, %dma_start3A_9] : memref<5888x256xf32, #tpu.memory_space<hbm>> -> memref<5888x256xf32, #tpu.memory_space<hbm>>
    tpu.enqueue_indirect_dma source(%dma_start3A_10 : memref<5888x256xf32, #tpu.memory_space<hbm>>) target(%arg6 : memref<128x256xf32, #tpu.memory_space<vmem>>) offsets(%dma_start3A_7 : memref<128xi32, #tpu.memory_space<vmem>>) semaphore(%arg8 : memref<!tpu.dma_semaphore, #tpu.memory_space<semaphore_mem>>)
    %scan3A = arith.constant 0 : i32
    %scan3A_11 = arith.constant 6 : i32
    %scan3A_12 = arith.addi %scan3A, %scan3A_11 : i32
    %scan3A_13 = arith.constant 1 : i32
    scf.for %scan3A_23 = %scan3A to %scan3A_12 step %scan3A_13  : i32 {
      %mul3A_24 = arith.constant 1 : i32
      %mul3A_25 = arith.muli %scan3A_23, %mul3A_24 : i32
      %add3A_26 = arith.constant 0 : i32
      %add3A_27 = arith.addi %add3A_26, %mul3A_25 : i32
      %mul3A_28 = arith.constant 2 : i32
      %mul3A_29 = arith.muli %add3A_27, %mul3A_28 : i32
      %add3A_30 = arith.constant 1 : i32
      %add3A_31 = arith.addi %mul3A_29, %add3A_30 : i32
      %dma_start3A_32 = arith.constant 0 : i32
      %dma_start3A_33 = tpu.memref_slice %arg5[%add3A_31, %dma_start3A_32] : memref<16x128xi32, #tpu.memory_space<vmem>> -> memref<1x128xi32, #tpu.memory_space<vmem>>
      %dma_start3A_34 = tpu.memref_squeeze %dma_start3A_33 : memref<1x128xi32, #tpu.memory_space<vmem>> -> memref<128xi32, #tpu.memory_space<vmem>>
      %dma_start3A_35 = arith.constant 0 : i32
      %dma_start3A_36 = arith.constant 0 : i32
      %dma_start3A_37 = tpu.memref_slice %arg2[%dma_start3A_35, %dma_start3A_36] : memref<5888x256xf32, #tpu.memory_space<hbm>> -> memref<5888x256xf32, #tpu.memory_space<hbm>>
      tpu.enqueue_indirect_dma source(%dma_start3A_37 : memref<5888x256xf32, #tpu.memory_space<hbm>>) target(%arg7 : memref<128x256xf32, #tpu.memory_space<vmem>>) offsets(%dma_start3A_34 : memref<128xi32, #tpu.memory_space<vmem>>) semaphore(%arg9 : memref<!tpu.dma_semaphore, #tpu.memory_space<semaphore_mem>>)
      %dma_wait3A_38 = arith.constant 0 : i32
      %dma_wait3A_39 = tpu.memref_slice %arg5[%mul3A_29, %dma_wait3A_38] : memref<16x128xi32, #tpu.memory_space<vmem>> -> memref<1x128xi32, #tpu.memory_space<vmem>>
      %dma_wait3A_40 = tpu.memref_squeeze %dma_wait3A_39 : memref<1x128xi32, #tpu.memory_space<vmem>> -> memref<128xi32, #tpu.memory_space<vmem>>
      %dma_wait3A_41 = arith.constant 0 : i32
      %dma_wait3A_42 = arith.constant 0 : i32
      %dma_wait3A_43 = tpu.memref_slice %arg2[%dma_wait3A_41, %dma_wait3A_42] : memref<5888x256xf32, #tpu.memory_space<hbm>> -> memref<5888x256xf32, #tpu.memory_space<hbm>>
      tpu.wait_indirect_dma semaphore(%arg8 : memref<!tpu.dma_semaphore, #tpu.memory_space<semaphore_mem>>) src(%dma_wait3A_43 : memref<5888x256xf32, #tpu.memory_space<hbm>>) dst(%arg6 : memref<128x256xf32, #tpu.memory_space<vmem>>)
      %mul3A_44 = arith.constant 128 : i32
      %mul3A_45 = arith.muli %mul3A_29, %mul3A_44 : i32
      %add3A_46 = arith.addi %mul3A_4, %mul3A_45 : i32
      "tpu.region"() ({
        %run_scoped3A = tpu.sem_alloc : memref<!tpu.dma_semaphore, #tpu.memory_space<semaphore_mem>>
        %dma_start3A_62 = arith.constant 0 : i32
        %dma_start3A_63 = tpu.memref_slice %arg4[%add3A_46, %dma_start3A_62] : memref<53248x256xf32, #tpu.memory_space<hbm>> -> memref<128x256xf32, #tpu.memory_space<hbm>>
        %dma_start3A_64 = arith.constant 0 : i32
        %dma_start3A_65 = tpu.memref_slice %arg4[%add3A_46, %dma_start3A_64] : memref<53248x256xf32, #tpu.memory_space<hbm>> -> memref<128x256xf32, #tpu.memory_space<hbm>>
        tpu.enqueue_dma source(%arg6 : memref<128x256xf32, #tpu.memory_space<vmem>>) target(%dma_start3A_65 : memref<128x256xf32, #tpu.memory_space<hbm>>) target_semaphore(%run_scoped3A : memref<!tpu.dma_semaphore, #tpu.memory_space<semaphore_mem>>)
        %dma_wait3A_66 = arith.constant 0 : i32
        %dma_wait3A_67 = tpu.memref_slice %arg4[%add3A_46, %dma_wait3A_66] : memref<53248x256xf32, #tpu.memory_space<hbm>> -> memref<128x256xf32, #tpu.memory_space<hbm>>
        %dma_wait3A_68 = arith.constant 0 : i32
        %dma_wait3A_69 = tpu.memref_slice %arg4[%add3A_46, %dma_wait3A_68] : memref<53248x256xf32, #tpu.memory_space<hbm>> -> memref<128x256xf32, #tpu.memory_space<hbm>>
        tpu.wait_dma2 semaphore(%run_scoped3A : memref<!tpu.dma_semaphore, #tpu.memory_space<semaphore_mem>>) src(%arg6 : memref<128x256xf32, #tpu.memory_space<vmem>>) dst(%dma_wait3A_69 : memref<128x256xf32, #tpu.memory_space<hbm>>)
        tpu.yield
      }) : () -> ()
      %add3A_47 = arith.constant 2 : i32
      %add3A_48 = arith.addi %mul3A_29, %add3A_47 : i32
      %lt3A = arith.constant 13 : i32
      %lt3A_49 = arith.cmpi slt, %add3A_48, %lt3A : i32
      %convert_element_type3A = arith.extui %lt3A_49 : i1 to i32
      %cond3A = arith.constant 0 : i32
      %cond3A_50 = arith.cmpi ne, %convert_element_type3A, %cond3A : i32
      scf.if %cond3A_50 {
        %add3A_62 = arith.constant 2 : i32
        %add3A_63 = arith.addi %mul3A_29, %add3A_62 : i32
        %dma_start3A_64 = arith.constant 0 : i32
        %dma_start3A_65 = tpu.memref_slice %arg5[%add3A_63, %dma_start3A_64] : memref<16x128xi32, #tpu.memory_space<vmem>> -> memref<1x128xi32, #tpu.memory_space<vmem>>
        %dma_start3A_66 = tpu.memref_squeeze %dma_start3A_65 : memref<1x128xi32, #tpu.memory_space<vmem>> -> memref<128xi32, #tpu.memory_space<vmem>>
        %dma_start3A_67 = arith.constant 0 : i32
        %dma_start3A_68 = arith.constant 0 : i32
        %dma_start3A_69 = tpu.memref_slice %arg2[%dma_start3A_67, %dma_start3A_68] : memref<5888x256xf32, #tpu.memory_space<hbm>> -> memref<5888x256xf32, #tpu.memory_space<hbm>>
        tpu.enqueue_indirect_dma source(%dma_start3A_69 : memref<5888x256xf32, #tpu.memory_space<hbm>>) target(%arg6 : memref<128x256xf32, #tpu.memory_space<vmem>>) offsets(%dma_start3A_66 : memref<128xi32, #tpu.memory_space<vmem>>) semaphore(%arg8 : memref<!tpu.dma_semaphore, #tpu.memory_space<semaphore_mem>>)
      } else {
      }
      %add3A_51 = arith.constant 1 : i32
      %add3A_52 = arith.addi %mul3A_29, %add3A_51 : i32
      %dma_wait3A_53 = arith.constant 0 : i32
      %dma_wait3A_54 = tpu.memref_slice %arg5[%add3A_52, %dma_wait3A_53] : memref<16x128xi32, #tpu.memory_space<vmem>> -> memref<1x128xi32, #tpu.memory_space<vmem>>
      %dma_wait3A_55 = tpu.memref_squeeze %dma_wait3A_54 : memref<1x128xi32, #tpu.memory_space<vmem>> -> memref<128xi32, #tpu.memory_space<vmem>>
      %dma_wait3A_56 = arith.constant 0 : i32
      %dma_wait3A_57 = arith.constant 0 : i32
      %dma_wait3A_58 = tpu.memref_slice %arg2[%dma_wait3A_56, %dma_wait3A_57] : memref<5888x256xf32, #tpu.memory_space<hbm>> -> memref<5888x256xf32, #tpu.memory_space<hbm>>
      tpu.wait_indirect_dma semaphore(%arg9 : memref<!tpu.dma_semaphore, #tpu.memory_space<semaphore_mem>>) src(%dma_wait3A_58 : memref<5888x256xf32, #tpu.memory_space<hbm>>) dst(%arg7 : memref<128x256xf32, #tpu.memory_space<vmem>>)
      %mul3A_59 = arith.constant 128 : i32
      %mul3A_60 = arith.muli %add3A_52, %mul3A_59 : i32
      %add3A_61 = arith.addi %mul3A_4, %mul3A_60 : i32
      "tpu.region"() ({
        %run_scoped3A = tpu.sem_alloc : memref<!tpu.dma_semaphore, #tpu.memory_space<semaphore_mem>>
        %dma_start3A_62 = arith.constant 0 : i32
        %dma_start3A_63 = tpu.memref_slice %arg4[%add3A_61, %dma_start3A_62] : memref<53248x256xf32, #tpu.memory_space<hbm>> -> memref<128x256xf32, #tpu.memory_space<hbm>>
        %dma_start3A_64 = arith.constant 0 : i32
        %dma_start3A_65 = tpu.memref_slice %arg4[%add3A_61, %dma_start3A_64] : memref<53248x256xf32, #tpu.memory_space<hbm>> -> memref<128x256xf32, #tpu.memory_space<hbm>>
        tpu.enqueue_dma source(%arg7 : memref<128x256xf32, #tpu.memory_space<vmem>>) target(%dma_start3A_65 : memref<128x256xf32, #tpu.memory_space<hbm>>) target_semaphore(%run_scoped3A : memref<!tpu.dma_semaphore, #tpu.memory_space<semaphore_mem>>)
        %dma_wait3A_66 = arith.constant 0 : i32
        %dma_wait3A_67 = tpu.memref_slice %arg4[%add3A_61, %dma_wait3A_66] : memref<53248x256xf32, #tpu.memory_space<hbm>> -> memref<128x256xf32, #tpu.memory_space<hbm>>
        %dma_wait3A_68 = arith.constant 0 : i32
        %dma_wait3A_69 = tpu.memref_slice %arg4[%add3A_61, %dma_wait3A_68] : memref<53248x256xf32, #tpu.memory_space<hbm>> -> memref<128x256xf32, #tpu.memory_space<hbm>>
        tpu.wait_dma2 semaphore(%run_scoped3A : memref<!tpu.dma_semaphore, #tpu.memory_space<semaphore_mem>>) src(%arg7 : memref<128x256xf32, #tpu.memory_space<vmem>>) dst(%dma_wait3A_69 : memref<128x256xf32, #tpu.memory_space<hbm>>)
        tpu.yield
      }) : () -> ()
    }
    %scan3A_14 = arith.constant 6 : i32
    %dma_wait3A = arith.constant 12 : i32
    %dma_wait3A_15 = arith.constant 0 : i32
    %dma_wait3A_16 = tpu.memref_slice %arg5[%dma_wait3A, %dma_wait3A_15] : memref<16x128xi32, #tpu.memory_space<vmem>> -> memref<1x128xi32, #tpu.memory_space<vmem>>
    %dma_wait3A_17 = tpu.memref_squeeze %dma_wait3A_16 : memref<1x128xi32, #tpu.memory_space<vmem>> -> memref<128xi32, #tpu.memory_space<vmem>>
    %dma_wait3A_18 = arith.constant 0 : i32
    %dma_wait3A_19 = arith.constant 0 : i32
    %dma_wait3A_20 = tpu.memref_slice %arg2[%dma_wait3A_18, %dma_wait3A_19] : memref<5888x256xf32, #tpu.memory_space<hbm>> -> memref<5888x256xf32, #tpu.memory_space<hbm>>
    tpu.wait_indirect_dma semaphore(%arg8 : memref<!tpu.dma_semaphore, #tpu.memory_space<semaphore_mem>>) src(%dma_wait3A_20 : memref<5888x256xf32, #tpu.memory_space<hbm>>) dst(%arg6 : memref<128x256xf32, #tpu.memory_space<vmem>>)
    %add3A_21 = arith.constant 1536 : i32
    %add3A_22 = arith.addi %mul3A_4, %add3A_21 : i32
    "tpu.region"() ({
      %run_scoped3A = tpu.sem_alloc : memref<!tpu.dma_semaphore, #tpu.memory_space<semaphore_mem>>
      %dma_start3A_23 = arith.constant 0 : i32
      %dma_start3A_24 = tpu.memref_slice %arg4[%add3A_22, %dma_start3A_23] : memref<53248x256xf32, #tpu.memory_space<hbm>> -> memref<128x256xf32, #tpu.memory_space<hbm>>
      %dma_start3A_25 = arith.constant 0 : i32
      %dma_start3A_26 = tpu.memref_slice %arg4[%add3A_22, %dma_start3A_25] : memref<53248x256xf32, #tpu.memory_space<hbm>> -> memref<128x256xf32, #tpu.memory_space<hbm>>
      tpu.enqueue_dma source(%arg6 : memref<128x256xf32, #tpu.memory_space<vmem>>) target(%dma_start3A_26 : memref<128x256xf32, #tpu.memory_space<hbm>>) target_semaphore(%run_scoped3A : memref<!tpu.dma_semaphore, #tpu.memory_space<semaphore_mem>>)
      %dma_wait3A_27 = arith.constant 0 : i32
      %dma_wait3A_28 = tpu.memref_slice %arg4[%add3A_22, %dma_wait3A_27] : memref<53248x256xf32, #tpu.memory_space<hbm>> -> memref<128x256xf32, #tpu.memory_space<hbm>>
      %dma_wait3A_29 = arith.constant 0 : i32
      %dma_wait3A_30 = tpu.memref_slice %arg4[%add3A_22, %dma_wait3A_29] : memref<53248x256xf32, #tpu.memory_space<hbm>> -> memref<128x256xf32, #tpu.memory_space<hbm>>
      tpu.wait_dma2 semaphore(%run_scoped3A : memref<!tpu.dma_semaphore, #tpu.memory_space<semaphore_mem>>) src(%arg6 : memref<128x256xf32, #tpu.memory_space<vmem>>) dst(%dma_wait3A_30 : memref<128x256xf32, #tpu.memory_space<hbm>>)
      tpu.yield
    }) : () -> ()
    return
  }
}

module attributes {stable_mosaic.version = 14 : i64} {
  func.func @_h3_prep_kernel(%arg0: i32, %arg1: memref<1472x2xf32, #tpu.memory_space<vmem>>, %arg2: memref<2x256xf32, #tpu.memory_space<vmem>>, %arg3: memref<1x256xf32, #tpu.memory_space<vmem>>, %arg4: memref<256x256xf32, #tpu.memory_space<vmem>>, %arg5: memref<1x256xf32, #tpu.memory_space<vmem>>, %arg6: memref<256x256xf32, #tpu.memory_space<vmem>>, %arg7: memref<1x256xf32, #tpu.memory_space<vmem>>, %arg8: memref<1x256xf32, #tpu.memory_space<vmem>>, %arg9: memref<1x256xf32, #tpu.memory_space<vmem>>, %arg10: memref<256x256xf32, #tpu.memory_space<vmem>>, %arg11: memref<1472x256xf32, #tpu.memory_space<vmem>>, %arg12: memref<1472x256xf32, #tpu.memory_space<vmem>>) attributes {dimension_semantics = [#tpu.dimension_semantics<arbitrary>], iteration_bounds = array<i64: 4>, scalar_prefetch = 0 : i64, scratch_operands = 0 : i64, tpu.core_type = #tpu.core_type<tc>, window_params = [{transform_indices = @transform_0, window_bounds = array<i64: 1472, 2>}, {pipeline_mode = #tpu.pipeline_mode<synchronous>, transform_indices = @transform_1, window_bounds = array<i64: 2, 256>}, {pipeline_mode = #tpu.pipeline_mode<synchronous>, transform_indices = @transform_2, window_bounds = array<i64: 1, 256>}, {pipeline_mode = #tpu.pipeline_mode<synchronous>, transform_indices = @transform_3, window_bounds = array<i64: 256, 256>}, {pipeline_mode = #tpu.pipeline_mode<synchronous>, transform_indices = @transform_4, window_bounds = array<i64: 1, 256>}, {pipeline_mode = #tpu.pipeline_mode<synchronous>, transform_indices = @transform_5, window_bounds = array<i64: 256, 256>}, {pipeline_mode = #tpu.pipeline_mode<synchronous>, transform_indices = @transform_6, window_bounds = array<i64: 1, 256>}, {pipeline_mode = #tpu.pipeline_mode<synchronous>, transform_indices = @transform_7, window_bounds = array<i64: 1, 256>}, {pipeline_mode = #tpu.pipeline_mode<synchronous>, transform_indices = @transform_8, window_bounds = array<i64: 1, 256>}, {pipeline_mode = #tpu.pipeline_mode<synchronous>, transform_indices = @transform_9, window_bounds = array<i64: 256, 256>}, {transform_indices = @transform_10, window_bounds = array<i64: 1472, 256>}, {transform_indices = @transform_11, window_bounds = array<i64: 1472, 256>}]} {
    %get3A = arith.constant 0 : index
    %get3A_0 = arith.constant 0 : index
    %get3A_1 = vector.load %arg1[%get3A, %get3A_0] : memref<1472x2xf32, #tpu.memory_space<vmem>>, vector<1472x2xf32>
    %get3A_2 = arith.constant 0 : index
    %get3A_3 = arith.constant 0 : index
    %get3A_4 = vector.load %arg2[%get3A_2, %get3A_3] : memref<2x256xf32, #tpu.memory_space<vmem>>, vector<2x256xf32>
    %dot_general3A = arith.constant dense<0.000000e+00> : vector<1472x256xf32>
    %dot_general3A_5 = tpu.matmul %get3A_1, %get3A_4, %dot_general3A {dimension_numbers = #tpu.dot_dimension_numbers<[1], [0], [0], [1], [0, 0, 1, 1], [], []>, transpose_lhs_hint = false} : vector<1472x2xf32>, vector<2x256xf32>, vector<1472x256xf32> -> vector<1472x256xf32>
    %get3A_6 = arith.constant 0 : index
    %get3A_7 = arith.constant 0 : index
    %get3A_8 = vector.load %arg3[%get3A_6, %get3A_7] : memref<1x256xf32, #tpu.memory_space<vmem>>, vector<1x256xf32>
    %add3A = vector.broadcast %get3A_8 : vector<1x256xf32> to vector<1472x256xf32>
    %add3A_9 = arith.addf %dot_general3A_5, %add3A : vector<1472x256xf32>
    %max3A = arith.constant 0.000000e+00 : f32
    %max3A_10 = vector.broadcast %max3A : f32 to vector<1472x256xf32>
    %max3A_11 = arith.maximumf %add3A_9, %max3A_10 : vector<1472x256xf32>
    %get3A_12 = arith.constant 0 : index
    %get3A_13 = arith.constant 0 : index
    %get3A_14 = vector.load %arg4[%get3A_12, %get3A_13] : memref<256x256xf32, #tpu.memory_space<vmem>>, vector<256x256xf32>
    %dot_general3A_15 = arith.constant dense<0.000000e+00> : vector<1472x256xf32>
    %dot_general3A_16 = tpu.matmul %max3A_11, %get3A_14, %dot_general3A_15 {dimension_numbers = #tpu.dot_dimension_numbers<[1], [0], [0], [1], [0, 0, 1, 1], [], []>, transpose_lhs_hint = false} : vector<1472x256xf32>, vector<256x256xf32>, vector<1472x256xf32> -> vector<1472x256xf32>
    %get3A_17 = arith.constant 0 : index
    %get3A_18 = arith.constant 0 : index
    %get3A_19 = vector.load %arg5[%get3A_17, %get3A_18] : memref<1x256xf32, #tpu.memory_space<vmem>>, vector<1x256xf32>
    %add3A_20 = vector.broadcast %get3A_19 : vector<1x256xf32> to vector<1472x256xf32>
    %add3A_21 = arith.addf %dot_general3A_16, %add3A_20 : vector<1472x256xf32>
    %max3A_22 = arith.constant 0.000000e+00 : f32
    %max3A_23 = vector.broadcast %max3A_22 : f32 to vector<1472x256xf32>
    %max3A_24 = arith.maximumf %add3A_21, %max3A_23 : vector<1472x256xf32>
    %get3A_25 = arith.constant 0 : index
    %get3A_26 = arith.constant 0 : index
    %get3A_27 = vector.load %arg6[%get3A_25, %get3A_26] : memref<256x256xf32, #tpu.memory_space<vmem>>, vector<256x256xf32>
    %dot_general3A_28 = arith.constant dense<0.000000e+00> : vector<1472x256xf32>
    %dot_general3A_29 = tpu.matmul %max3A_24, %get3A_27, %dot_general3A_28 {dimension_numbers = #tpu.dot_dimension_numbers<[1], [0], [0], [1], [0, 0, 1, 1], [], []>, transpose_lhs_hint = false} : vector<1472x256xf32>, vector<256x256xf32>, vector<1472x256xf32> -> vector<1472x256xf32>
    %get3A_30 = arith.constant 0 : index
    %get3A_31 = arith.constant 0 : index
    %get3A_32 = vector.load %arg7[%get3A_30, %get3A_31] : memref<1x256xf32, #tpu.memory_space<vmem>>, vector<1x256xf32>
    %add3A_33 = vector.broadcast %get3A_32 : vector<1x256xf32> to vector<1472x256xf32>
    %add3A_34 = arith.addf %dot_general3A_29, %add3A_33 : vector<1472x256xf32>
    %get3A_35 = arith.constant 0 : index
    %get3A_36 = arith.constant 0 : index
    %get3A_37 = vector.load %arg8[%get3A_35, %get3A_36] : memref<1x256xf32, #tpu.memory_space<vmem>>, vector<1x256xf32>
    %get3A_38 = arith.constant 0 : index
    %get3A_39 = arith.constant 0 : index
    %get3A_40 = vector.load %arg9[%get3A_38, %get3A_39] : memref<1x256xf32, #tpu.memory_space<vmem>>, vector<1x256xf32>
    %reduce_sum3A = arith.constant dense<0.000000e+00> : vector<1472xf32>
    %reduce_sum3A_41 = vector.multi_reduction <add>, %add3A_34, %reduce_sum3A [1] : vector<1472x256xf32> to vector<1472xf32>
    %broadcast_in_dim3A = vector.shape_cast %reduce_sum3A_41 : vector<1472xf32> to vector<1472x1xf32>
    %div3A = arith.constant 2.560000e+02 : f32
    %div3A_42 = vector.broadcast %div3A : f32 to vector<1472x1xf32>
    %div3A_43 = arith.divf %broadcast_in_dim3A, %div3A_42 : vector<1472x1xf32>
    %sub3A = vector.broadcast %div3A_43 : vector<1472x1xf32> to vector<1472x256xf32>
    %sub3A_44 = arith.subf %add3A_34, %sub3A : vector<1472x256xf32>
    %mul3A = arith.mulf %sub3A_44, %sub3A_44 : vector<1472x256xf32>
    %reduce_sum3A_45 = arith.constant dense<0.000000e+00> : vector<1472xf32>
    %reduce_sum3A_46 = vector.multi_reduction <add>, %mul3A, %reduce_sum3A_45 [1] : vector<1472x256xf32> to vector<1472xf32>
    %broadcast_in_dim3A_47 = vector.shape_cast %reduce_sum3A_46 : vector<1472xf32> to vector<1472x1xf32>
    %div3A_48 = arith.constant 2.560000e+02 : f32
    %div3A_49 = vector.broadcast %div3A_48 : f32 to vector<1472x1xf32>
    %div3A_50 = arith.divf %broadcast_in_dim3A_47, %div3A_49 : vector<1472x1xf32>
    %add3A_51 = arith.constant 9.99999974E-6 : f32
    %add3A_52 = vector.broadcast %add3A_51 : f32 to vector<1472x1xf32>
    %add3A_53 = arith.addf %div3A_50, %add3A_52 : vector<1472x1xf32>
    %rsqrt3A = math.rsqrt %add3A_53 : vector<1472x1xf32>
    %mul3A_54 = vector.broadcast %rsqrt3A : vector<1472x1xf32> to vector<1472x256xf32>
    %mul3A_55 = arith.mulf %sub3A_44, %mul3A_54 : vector<1472x256xf32>
    %mul3A_56 = vector.broadcast %get3A_37 : vector<1x256xf32> to vector<1472x256xf32>
    %mul3A_57 = arith.mulf %mul3A_55, %mul3A_56 : vector<1472x256xf32>
    %add3A_58 = vector.broadcast %get3A_40 : vector<1x256xf32> to vector<1472x256xf32>
    %add3A_59 = arith.addf %mul3A_57, %add3A_58 : vector<1472x256xf32>
    %swap3A = arith.constant 0 : index
    %swap3A_60 = arith.constant 0 : index
    %swap3A_61 = vector.load %arg11[%swap3A, %swap3A_60] : memref<1472x256xf32, #tpu.memory_space<vmem>>, vector<1472x256xf32>
    tpu.vector_store %arg11[%swap3A, %swap3A_60], %add3A_59 {strides = array<i32>} : memref<1472x256xf32, #tpu.memory_space<vmem>>, vector<1472x256xf32>,
    %get3A_62 = arith.constant 0 : index
    %get3A_63 = arith.constant 0 : index
    %get3A_64 = vector.load %arg10[%get3A_62, %get3A_63] : memref<256x256xf32, #tpu.memory_space<vmem>>, vector<256x256xf32>
    %dot_general3A_65 = arith.constant dense<0.000000e+00> : vector<1472x256xf32>
    %dot_general3A_66 = tpu.matmul %add3A_59, %get3A_64, %dot_general3A_65 {dimension_numbers = #tpu.dot_dimension_numbers<[1], [0], [0], [1], [0, 0, 1, 1], [], []>, transpose_lhs_hint = false} : vector<1472x256xf32>, vector<256x256xf32>, vector<1472x256xf32> -> vector<1472x256xf32>
    %swap3A_67 = arith.constant 0 : index
    %swap3A_68 = arith.constant 0 : index
    %swap3A_69 = vector.load %arg12[%swap3A_67, %swap3A_68] : memref<1472x256xf32, #tpu.memory_space<vmem>>, vector<1472x256xf32>
    tpu.vector_store %arg12[%swap3A_67, %swap3A_68], %dot_general3A_66 {strides = array<i32>} : memref<1472x256xf32, #tpu.memory_space<vmem>>, vector<1472x256xf32>,
    return
  }
  func.func @transform_0(%arg0: i32) -> (i32, i32) {
    %c0_i32 = arith.constant 0 : i32
    %c0_i32_0 = arith.constant 0 : i32
    return %arg0, %c0_i32 : i32, i32
  }
  func.func @transform_1(%arg0: i32) -> (i32, i32) {
    %c0_i32 = arith.constant 0 : i32
    %c0_i32_0 = arith.constant 0 : i32
    %c0_i32_1 = arith.constant 0 : i32
    return %c0_i32, %c0_i32_0 : i32, i32
  }
  func.func @transform_2(%arg0: i32) -> (i32, i32) {
    %c0_i32 = arith.constant 0 : i32
    %c0_i32_0 = arith.constant 0 : i32
    %c0_i32_1 = arith.constant 0 : i32
    return %c0_i32, %c0_i32_0 : i32, i32
  }
  func.func @transform_3(%arg0: i32) -> (i32, i32) {
    %c0_i32 = arith.constant 0 : i32
    %c0_i32_0 = arith.constant 0 : i32
    %c0_i32_1 = arith.constant 0 : i32
    return %c0_i32, %c0_i32_0 : i32, i32
  }
  func.func @transform_4(%arg0: i32) -> (i32, i32) {
    %c0_i32 = arith.constant 0 : i32
    %c0_i32_0 = arith.constant 0 : i32
    %c0_i32_1 = arith.constant 0 : i32
    return %c0_i32, %c0_i32_0 : i32, i32
  }
  func.func @transform_5(%arg0: i32) -> (i32, i32) {
    %c0_i32 = arith.constant 0 : i32
    %c0_i32_0 = arith.constant 0 : i32
    %c0_i32_1 = arith.constant 0 : i32
    return %c0_i32, %c0_i32_0 : i32, i32
  }
  func.func @transform_6(%arg0: i32) -> (i32, i32) {
    %c0_i32 = arith.constant 0 : i32
    %c0_i32_0 = arith.constant 0 : i32
    %c0_i32_1 = arith.constant 0 : i32
    return %c0_i32, %c0_i32_0 : i32, i32
  }
  func.func @transform_7(%arg0: i32) -> (i32, i32) {
    %c0_i32 = arith.constant 0 : i32
    %c0_i32_0 = arith.constant 0 : i32
    %c0_i32_1 = arith.constant 0 : i32
    return %c0_i32, %c0_i32_0 : i32, i32
  }
  func.func @transform_8(%arg0: i32) -> (i32, i32) {
    %c0_i32 = arith.constant 0 : i32
    %c0_i32_0 = arith.constant 0 : i32
    %c0_i32_1 = arith.constant 0 : i32
    return %c0_i32, %c0_i32_0 : i32, i32
  }
  func.func @transform_9(%arg0: i32) -> (i32, i32) {
    %c0_i32 = arith.constant 0 : i32
    %c0_i32_0 = arith.constant 0 : i32
    %c0_i32_1 = arith.constant 0 : i32
    return %c0_i32, %c0_i32_0 : i32, i32
  }
  func.func @transform_10(%arg0: i32) -> (i32, i32) {
    %c0_i32 = arith.constant 0 : i32
    %c0_i32_0 = arith.constant 0 : i32
    return %arg0, %c0_i32 : i32, i32
  }
  func.func @transform_11(%arg0: i32) -> (i32, i32) {
    %c0_i32 = arith.constant 0 : i32
    %c0_i32_0 = arith.constant 0 : i32
    return %arg0, %c0_i32 : i32, i32
  }
}

module attributes {stable_mosaic.version = 14 : i64} {
  func.func @_edges_kernel(%arg0: i32, %arg1: memref<1024x2xf32, #tpu.memory_space<vmem>>, %arg2: memref<1024x3xf32, #tpu.memory_space<vmem>>, %arg3: memref<1024x256xf32, #tpu.memory_space<vmem>>, %arg4: memref<2x256xf32, #tpu.memory_space<vmem>>, %arg5: memref<1x256xf32, #tpu.memory_space<vmem>>, %arg6: memref<256x256xf32, #tpu.memory_space<vmem>>, %arg7: memref<1x256xf32, #tpu.memory_space<vmem>>, %arg8: memref<256x256xf32, #tpu.memory_space<vmem>>, %arg9: memref<1x256xf32, #tpu.memory_space<vmem>>, %arg10: memref<1x256xf32, #tpu.memory_space<vmem>>, %arg11: memref<1x256xf32, #tpu.memory_space<vmem>>, %arg12: memref<3x256xf32, #tpu.memory_space<vmem>>, %arg13: memref<1x256xf32, #tpu.memory_space<vmem>>, %arg14: memref<256x256xf32, #tpu.memory_space<vmem>>, %arg15: memref<1x256xf32, #tpu.memory_space<vmem>>, %arg16: memref<256x256xf32, #tpu.memory_space<vmem>>, %arg17: memref<1x256xf32, #tpu.memory_space<vmem>>, %arg18: memref<1x256xf32, #tpu.memory_space<vmem>>, %arg19: memref<1x256xf32, #tpu.memory_space<vmem>>, %arg20: memref<256x256xf32, #tpu.memory_space<vmem>>, %arg21: memref<256x256xf32, #tpu.memory_space<vmem>>, %arg22: memref<1x256xf32, #tpu.memory_space<vmem>>, %arg23: memref<256x256xf32, #tpu.memory_space<vmem>>, %arg24: memref<1x256xf32, #tpu.memory_space<vmem>>, %arg25: memref<256x256xf32, #tpu.memory_space<vmem>>, %arg26: memref<1x256xf32, #tpu.memory_space<vmem>>, %arg27: memref<1x256xf32, #tpu.memory_space<vmem>>, %arg28: memref<1x256xf32, #tpu.memory_space<vmem>>, %arg29: memref<256x1024xf32, #tpu.memory_space<vmem>>) attributes {dimension_semantics = [#tpu.dimension_semantics<arbitrary>], iteration_bounds = array<i64: 52>, scalar_prefetch = 0 : i64, scratch_operands = 0 : i64, tpu.core_type = #tpu.core_type<tc>, window_params = [{transform_indices = @transform_0, window_bounds = array<i64: 1024, 2>}, {transform_indices = @transform_1, window_bounds = array<i64: 1024, 3>}, {transform_indices = @transform_2, window_bounds = array<i64: 1024, 256>}, {pipeline_mode = #tpu.pipeline_mode<synchronous>, transform_indices = @transform_3, window_bounds = array<i64: 2, 256>}, {pipeline_mode = #tpu.pipeline_mode<synchronous>, transform_indices = @transform_4, window_bounds = array<i64: 1, 256>}, {pipeline_mode = #tpu.pipeline_mode<synchronous>, transform_indices = @transform_5, window_bounds = array<i64: 256, 256>}, {pipeline_mode = #tpu.pipeline_mode<synchronous>, transform_indices = @transform_6, window_bounds = array<i64: 1, 256>}, {pipeline_mode = #tpu.pipeline_mode<synchronous>, transform_indices = @transform_7, window_bounds = array<i64: 256, 256>}, {pipeline_mode = #tpu.pipeline_mode<synchronous>, transform_indices = @transform_8, window_bounds = array<i64: 1, 256>}, {pipeline_mode = #tpu.pipeline_mode<synchronous>, transform_indices = @transform_9, window_bounds = array<i64: 1, 256>}, {pipeline_mode = #tpu.pipeline_mode<synchronous>, transform_indices = @transform_10, window_bounds = array<i64: 1, 256>}, {pipeline_mode = #tpu.pipeline_mode<synchronous>, transform_indices = @transform_11, window_bounds = array<i64: 3, 256>}, {pipeline_mode = #tpu.pipeline_mode<synchronous>, transform_indices = @transform_12, window_bounds = array<i64: 1, 256>}, {pipeline_mode = #tpu.pipeline_mode<synchronous>, transform_indices = @transform_13, window_bounds = array<i64: 256, 256>}, {pipeline_mode = #tpu.pipeline_mode<synchronous>, transform_indices = @transform_14, window_bounds = array<i64: 1, 256>}, {pipeline_mode = #tpu.pipeline_mode<synchronous>, transform_indices = @transform_15, window_bounds = array<i64: 256, 256>}, {pipeline_mode = #tpu.pipeline_mode<synchronous>, transform_indices = @transform_16, window_bounds = array<i64: 1, 256>}, {pipeline_mode = #tpu.pipeline_mode<synchronous>, transform_indices = @transform_17, window_bounds = array<i64: 1, 256>}, {pipeline_mode = #tpu.pipeline_mode<synchronous>, transform_indices = @transform_18, window_bounds = array<i64: 1, 256>}, {pipeline_mode = #tpu.pipeline_mode<synchronous>, transform_indices = @transform_19, window_bounds = array<i64: 256, 256>}, {pipeline_mode = #tpu.pipeline_mode<synchronous>, transform_indices = @transform_20, window_bounds = array<i64: 256, 256>}, {pipeline_mode = #tpu.pipeline_mode<synchronous>, transform_indices = @transform_21, window_bounds = array<i64: 1, 256>}, {pipeline_mode = #tpu.pipeline_mode<synchronous>, transform_indices = @transform_22, window_bounds = array<i64: 256, 256>}, {pipeline_mode = #tpu.pipeline_mode<synchronous>, transform_indices = @transform_23, window_bounds = array<i64: 1, 256>}, {pipeline_mode = #tpu.pipeline_mode<synchronous>, transform_indices = @transform_24, window_bounds = array<i64: 256, 256>}, {pipeline_mode = #tpu.pipeline_mode<synchronous>, transform_indices = @transform_25, window_bounds = array<i64: 1, 256>}, {pipeline_mode = #tpu.pipeline_mode<synchronous>, transform_indices = @transform_26, window_bounds = array<i64: 1, 256>}, {pipeline_mode = #tpu.pipeline_mode<synchronous>, transform_indices = @transform_27, window_bounds = array<i64: 1, 256>}, {transform_indices = @transform_28, window_bounds = array<i64: 256, 1024>}]} {
    %get3A = arith.constant 0 : index
    %get3A_0 = arith.constant 0 : index
    %get3A_1 = vector.load %arg1[%get3A, %get3A_0] : memref<1024x2xf32, #tpu.memory_space<vmem>>, vector<1024x2xf32>
    %get3A_2 = arith.constant 0 : index
    %get3A_3 = arith.constant 0 : index
    %get3A_4 = vector.load %arg4[%get3A_2, %get3A_3] : memref<2x256xf32, #tpu.memory_space<vmem>>, vector<2x256xf32>
    %dot_general3A = arith.constant dense<0.000000e+00> : vector<1024x256xf32>
    %dot_general3A_5 = tpu.matmul %get3A_1, %get3A_4, %dot_general3A {dimension_numbers = #tpu.dot_dimension_numbers<[1], [0], [0], [1], [0, 0, 1, 1], [], []>, transpose_lhs_hint = false} : vector<1024x2xf32>, vector<2x256xf32>, vector<1024x256xf32> -> vector<1024x256xf32>
    %get3A_6 = arith.constant 0 : index
    %get3A_7 = arith.constant 0 : index
    %get3A_8 = vector.load %arg5[%get3A_6, %get3A_7] : memref<1x256xf32, #tpu.memory_space<vmem>>, vector<1x256xf32>
    %add3A = vector.broadcast %get3A_8 : vector<1x256xf32> to vector<1024x256xf32>
    %add3A_9 = arith.addf %dot_general3A_5, %add3A : vector<1024x256xf32>
    %max3A = arith.constant 0.000000e+00 : f32
    %max3A_10 = vector.broadcast %max3A : f32 to vector<1024x256xf32>
    %max3A_11 = arith.maximumf %add3A_9, %max3A_10 : vector<1024x256xf32>
    %get3A_12 = arith.constant 0 : index
    %get3A_13 = arith.constant 0 : index
    %get3A_14 = vector.load %arg6[%get3A_12, %get3A_13] : memref<256x256xf32, #tpu.memory_space<vmem>>, vector<256x256xf32>
    %dot_general3A_15 = arith.constant dense<0.000000e+00> : vector<1024x256xf32>
    %dot_general3A_16 = tpu.matmul %max3A_11, %get3A_14, %dot_general3A_15 {dimension_numbers = #tpu.dot_dimension_numbers<[1], [0], [0], [1], [0, 0, 1, 1], [], []>, transpose_lhs_hint = false} : vector<1024x256xf32>, vector<256x256xf32>, vector<1024x256xf32> -> vector<1024x256xf32>
    %get3A_17 = arith.constant 0 : index
    %get3A_18 = arith.constant 0 : index
    %get3A_19 = vector.load %arg7[%get3A_17, %get3A_18] : memref<1x256xf32, #tpu.memory_space<vmem>>, vector<1x256xf32>
    %add3A_20 = vector.broadcast %get3A_19 : vector<1x256xf32> to vector<1024x256xf32>
    %add3A_21 = arith.addf %dot_general3A_16, %add3A_20 : vector<1024x256xf32>
    %max3A_22 = arith.constant 0.000000e+00 : f32
    %max3A_23 = vector.broadcast %max3A_22 : f32 to vector<1024x256xf32>
    %max3A_24 = arith.maximumf %add3A_21, %max3A_23 : vector<1024x256xf32>
    %get3A_25 = arith.constant 0 : index
    %get3A_26 = arith.constant 0 : index
    %get3A_27 = vector.load %arg8[%get3A_25, %get3A_26] : memref<256x256xf32, #tpu.memory_space<vmem>>, vector<256x256xf32>
    %dot_general3A_28 = arith.constant dense<0.000000e+00> : vector<1024x256xf32>
    %dot_general3A_29 = tpu.matmul %max3A_24, %get3A_27, %dot_general3A_28 {dimension_numbers = #tpu.dot_dimension_numbers<[1], [0], [0], [1], [0, 0, 1, 1], [], []>, transpose_lhs_hint = false} : vector<1024x256xf32>, vector<256x256xf32>, vector<1024x256xf32> -> vector<1024x256xf32>
    %get3A_30 = arith.constant 0 : index
    %get3A_31 = arith.constant 0 : index
    %get3A_32 = vector.load %arg9[%get3A_30, %get3A_31] : memref<1x256xf32, #tpu.memory_space<vmem>>, vector<1x256xf32>
    %add3A_33 = vector.broadcast %get3A_32 : vector<1x256xf32> to vector<1024x256xf32>
    %add3A_34 = arith.addf %dot_general3A_29, %add3A_33 : vector<1024x256xf32>
    %get3A_35 = arith.constant 0 : index
    %get3A_36 = arith.constant 0 : index
    %get3A_37 = vector.load %arg10[%get3A_35, %get3A_36] : memref<1x256xf32, #tpu.memory_space<vmem>>, vector<1x256xf32>
    %get3A_38 = arith.constant 0 : index
    %get3A_39 = arith.constant 0 : index
    %get3A_40 = vector.load %arg11[%get3A_38, %get3A_39] : memref<1x256xf32, #tpu.memory_space<vmem>>, vector<1x256xf32>
    %reduce_sum3A = arith.constant dense<0.000000e+00> : vector<1024xf32>
    %reduce_sum3A_41 = vector.multi_reduction <add>, %add3A_34, %reduce_sum3A [1] : vector<1024x256xf32> to vector<1024xf32>
    %broadcast_in_dim3A = vector.shape_cast %reduce_sum3A_41 : vector<1024xf32> to vector<1024x1xf32>
    %div3A = arith.constant 2.560000e+02 : f32
    %div3A_42 = vector.broadcast %div3A : f32 to vector<1024x1xf32>
    %div3A_43 = arith.divf %broadcast_in_dim3A, %div3A_42 : vector<1024x1xf32>
    %sub3A = vector.broadcast %div3A_43 : vector<1024x1xf32> to vector<1024x256xf32>
    %sub3A_44 = arith.subf %add3A_34, %sub3A : vector<1024x256xf32>
    %mul3A = arith.mulf %sub3A_44, %sub3A_44 : vector<1024x256xf32>
    %reduce_sum3A_45 = arith.constant dense<0.000000e+00> : vector<1024xf32>
    %reduce_sum3A_46 = vector.multi_reduction <add>, %mul3A, %reduce_sum3A_45 [1] : vector<1024x256xf32> to vector<1024xf32>
    %broadcast_in_dim3A_47 = vector.shape_cast %reduce_sum3A_46 : vector<1024xf32> to vector<1024x1xf32>
    %div3A_48 = arith.constant 2.560000e+02 : f32
    %div3A_49 = vector.broadcast %div3A_48 : f32 to vector<1024x1xf32>
    %div3A_50 = arith.divf %broadcast_in_dim3A_47, %div3A_49 : vector<1024x1xf32>
    %add3A_51 = arith.constant 9.99999974E-6 : f32
    %add3A_52 = vector.broadcast %add3A_51 : f32 to vector<1024x1xf32>
    %add3A_53 = arith.addf %div3A_50, %add3A_52 : vector<1024x1xf32>
    %rsqrt3A = math.rsqrt %add3A_53 : vector<1024x1xf32>
    %mul3A_54 = vector.broadcast %rsqrt3A : vector<1024x1xf32> to vector<1024x256xf32>
    %mul3A_55 = arith.mulf %sub3A_44, %mul3A_54 : vector<1024x256xf32>
    %mul3A_56 = vector.broadcast %get3A_37 : vector<1x256xf32> to vector<1024x256xf32>
    %mul3A_57 = arith.mulf %mul3A_55, %mul3A_56 : vector<1024x256xf32>
    %add3A_58 = vector.broadcast %get3A_40 : vector<1x256xf32> to vector<1024x256xf32>
    %add3A_59 = arith.addf %mul3A_57, %add3A_58 : vector<1024x256xf32>
    %get3A_60 = arith.constant 0 : index
    %get3A_61 = arith.constant 0 : index
    %get3A_62 = vector.load %arg2[%get3A_60, %get3A_61] : memref<1024x3xf32, #tpu.memory_space<vmem>>, vector<1024x3xf32>
    %get3A_63 = arith.constant 0 : index
    %get3A_64 = arith.constant 0 : index
    %get3A_65 = vector.load %arg12[%get3A_63, %get3A_64] : memref<3x256xf32, #tpu.memory_space<vmem>>, vector<3x256xf32>
    %dot_general3A_66 = arith.constant dense<0.000000e+00> : vector<1024x256xf32>
    %dot_general3A_67 = tpu.matmul %get3A_62, %get3A_65, %dot_general3A_66 {dimension_numbers = #tpu.dot_dimension_numbers<[1], [0], [0], [1], [0, 0, 1, 1], [], []>, transpose_lhs_hint = false} : vector<1024x3xf32>, vector<3x256xf32>, vector<1024x256xf32> -> vector<1024x256xf32>
    %get3A_68 = arith.constant 0 : index
    %get3A_69 = arith.constant 0 : index
    %get3A_70 = vector.load %arg13[%get3A_68, %get3A_69] : memref<1x256xf32, #tpu.memory_space<vmem>>, vector<1x256xf32>
    %add3A_71 = vector.broadcast %get3A_70 : vector<1x256xf32> to vector<1024x256xf32>
    %add3A_72 = arith.addf %dot_general3A_67, %add3A_71 : vector<1024x256xf32>
    %max3A_73 = arith.constant 0.000000e+00 : f32
    %max3A_74 = vector.broadcast %max3A_73 : f32 to vector<1024x256xf32>
    %max3A_75 = arith.maximumf %add3A_72, %max3A_74 : vector<1024x256xf32>
    %get3A_76 = arith.constant 0 : index
    %get3A_77 = arith.constant 0 : index
    %get3A_78 = vector.load %arg14[%get3A_76, %get3A_77] : memref<256x256xf32, #tpu.memory_space<vmem>>, vector<256x256xf32>
    %dot_general3A_79 = arith.constant dense<0.000000e+00> : vector<1024x256xf32>
    %dot_general3A_80 = tpu.matmul %max3A_75, %get3A_78, %dot_general3A_79 {dimension_numbers = #tpu.dot_dimension_numbers<[1], [0], [0], [1], [0, 0, 1, 1], [], []>, transpose_lhs_hint = false} : vector<1024x256xf32>, vector<256x256xf32>, vector<1024x256xf32> -> vector<1024x256xf32>
    %get3A_81 = arith.constant 0 : index
    %get3A_82 = arith.constant 0 : index
    %get3A_83 = vector.load %arg15[%get3A_81, %get3A_82] : memref<1x256xf32, #tpu.memory_space<vmem>>, vector<1x256xf32>
    %add3A_84 = vector.broadcast %get3A_83 : vector<1x256xf32> to vector<1024x256xf32>
    %add3A_85 = arith.addf %dot_general3A_80, %add3A_84 : vector<1024x256xf32>
    %max3A_86 = arith.constant 0.000000e+00 : f32
    %max3A_87 = vector.broadcast %max3A_86 : f32 to vector<1024x256xf32>
    %max3A_88 = arith.maximumf %add3A_85, %max3A_87 : vector<1024x256xf32>
    %get3A_89 = arith.constant 0 : index
    %get3A_90 = arith.constant 0 : index
    %get3A_91 = vector.load %arg16[%get3A_89, %get3A_90] : memref<256x256xf32, #tpu.memory_space<vmem>>, vector<256x256xf32>
    %dot_general3A_92 = arith.constant dense<0.000000e+00> : vector<1024x256xf32>
    %dot_general3A_93 = tpu.matmul %max3A_88, %get3A_91, %dot_general3A_92 {dimension_numbers = #tpu.dot_dimension_numbers<[1], [0], [0], [1], [0, 0, 1, 1], [], []>, transpose_lhs_hint = false} : vector<1024x256xf32>, vector<256x256xf32>, vector<1024x256xf32> -> vector<1024x256xf32>
    %get3A_94 = arith.constant 0 : index
    %get3A_95 = arith.constant 0 : index
    %get3A_96 = vector.load %arg17[%get3A_94, %get3A_95] : memref<1x256xf32, #tpu.memory_space<vmem>>, vector<1x256xf32>
    %add3A_97 = vector.broadcast %get3A_96 : vector<1x256xf32> to vector<1024x256xf32>
    %add3A_98 = arith.addf %dot_general3A_93, %add3A_97 : vector<1024x256xf32>
    %get3A_99 = arith.constant 0 : index
    %get3A_100 = arith.constant 0 : index
    %get3A_101 = vector.load %arg18[%get3A_99, %get3A_100] : memref<1x256xf32, #tpu.memory_space<vmem>>, vector<1x256xf32>
    %get3A_102 = arith.constant 0 : index
    %get3A_103 = arith.constant 0 : index
    %get3A_104 = vector.load %arg19[%get3A_102, %get3A_103] : memref<1x256xf32, #tpu.memory_space<vmem>>, vector<1x256xf32>
    %reduce_sum3A_105 = arith.constant dense<0.000000e+00> : vector<1024xf32>
    %reduce_sum3A_106 = vector.multi_reduction <add>, %add3A_98, %reduce_sum3A_105 [1] : vector<1024x256xf32> to vector<1024xf32>
    %broadcast_in_dim3A_107 = vector.shape_cast %reduce_sum3A_106 : vector<1024xf32> to vector<1024x1xf32>
    %div3A_108 = arith.constant 2.560000e+02 : f32
    %div3A_109 = vector.broadcast %div3A_108 : f32 to vector<1024x1xf32>
    %div3A_110 = arith.divf %broadcast_in_dim3A_107, %div3A_109 : vector<1024x1xf32>
    %sub3A_111 = vector.broadcast %div3A_110 : vector<1024x1xf32> to vector<1024x256xf32>
    %sub3A_112 = arith.subf %add3A_98, %sub3A_111 : vector<1024x256xf32>
    %mul3A_113 = arith.mulf %sub3A_112, %sub3A_112 : vector<1024x256xf32>
    %reduce_sum3A_114 = arith.constant dense<0.000000e+00> : vector<1024xf32>
    %reduce_sum3A_115 = vector.multi_reduction <add>, %mul3A_113, %reduce_sum3A_114 [1] : vector<1024x256xf32> to vector<1024xf32>
    %broadcast_in_dim3A_116 = vector.shape_cast %reduce_sum3A_115 : vector<1024xf32> to vector<1024x1xf32>
    %div3A_117 = arith.constant 2.560000e+02 : f32
    %div3A_118 = vector.broadcast %div3A_117 : f32 to vector<1024x1xf32>
    %div3A_119 = arith.divf %broadcast_in_dim3A_116, %div3A_118 : vector<1024x1xf32>
    %add3A_120 = arith.constant 9.99999974E-6 : f32
    %add3A_121 = vector.broadcast %add3A_120 : f32 to vector<1024x1xf32>
    %add3A_122 = arith.addf %div3A_119, %add3A_121 : vector<1024x1xf32>
    %rsqrt3A_123 = math.rsqrt %add3A_122 : vector<1024x1xf32>
    %mul3A_124 = vector.broadcast %rsqrt3A_123 : vector<1024x1xf32> to vector<1024x256xf32>
    %mul3A_125 = arith.mulf %sub3A_112, %mul3A_124 : vector<1024x256xf32>
    %mul3A_126 = vector.broadcast %get3A_101 : vector<1x256xf32> to vector<1024x256xf32>
    %mul3A_127 = arith.mulf %mul3A_125, %mul3A_126 : vector<1024x256xf32>
    %add3A_128 = vector.broadcast %get3A_104 : vector<1x256xf32> to vector<1024x256xf32>
    %add3A_129 = arith.addf %mul3A_127, %add3A_128 : vector<1024x256xf32>
    %get3A_130 = arith.constant 0 : index
    %get3A_131 = arith.constant 0 : index
    %get3A_132 = vector.load %arg20[%get3A_130, %get3A_131] : memref<256x256xf32, #tpu.memory_space<vmem>>, vector<256x256xf32>
    %dot_general3A_133 = arith.constant dense<0.000000e+00> : vector<1024x256xf32>
    %dot_general3A_134 = tpu.matmul %add3A_59, %get3A_132, %dot_general3A_133 {dimension_numbers = #tpu.dot_dimension_numbers<[1], [0], [0], [1], [0, 0, 1, 1], [], []>, transpose_lhs_hint = false} : vector<1024x256xf32>, vector<256x256xf32>, vector<1024x256xf32> -> vector<1024x256xf32>
    %get3A_135 = arith.constant 0 : index
    %get3A_136 = arith.constant 0 : index
    %get3A_137 = vector.load %arg21[%get3A_135, %get3A_136] : memref<256x256xf32, #tpu.memory_space<vmem>>, vector<256x256xf32>
    %dot_general3A_138 = arith.constant dense<0.000000e+00> : vector<1024x256xf32>
    %dot_general3A_139 = tpu.matmul %add3A_129, %get3A_137, %dot_general3A_138 {dimension_numbers = #tpu.dot_dimension_numbers<[1], [0], [0], [1], [0, 0, 1, 1], [], []>, transpose_lhs_hint = false} : vector<1024x256xf32>, vector<256x256xf32>, vector<1024x256xf32> -> vector<1024x256xf32>
    %add3A_140 = arith.addf %dot_general3A_134, %dot_general3A_139 : vector<1024x256xf32>
    %get3A_141 = arith.constant 0 : index
    %get3A_142 = arith.constant 0 : index
    %get3A_143 = vector.load %arg3[%get3A_141, %get3A_142] : memref<1024x256xf32, #tpu.memory_space<vmem>>, vector<1024x256xf32>
    %add3A_144 = arith.addf %add3A_140, %get3A_143 : vector<1024x256xf32>
    %get3A_145 = arith.constant 0 : index
    %get3A_146 = arith.constant 0 : index
    %get3A_147 = vector.load %arg22[%get3A_145, %get3A_146] : memref<1x256xf32, #tpu.memory_space<vmem>>, vector<1x256xf32>
    %add3A_148 = vector.broadcast %get3A_147 : vector<1x256xf32> to vector<1024x256xf32>
    %add3A_149 = arith.addf %add3A_144, %add3A_148 : vector<1024x256xf32>
    %max3A_150 = arith.constant 0.000000e+00 : f32
    %max3A_151 = vector.broadcast %max3A_150 : f32 to vector<1024x256xf32>
    %max3A_152 = arith.maximumf %add3A_149, %max3A_151 : vector<1024x256xf32>
    %get3A_153 = arith.constant 0 : index
    %get3A_154 = arith.constant 0 : index
    %get3A_155 = vector.load %arg23[%get3A_153, %get3A_154] : memref<256x256xf32, #tpu.memory_space<vmem>>, vector<256x256xf32>
    %dot_general3A_156 = arith.constant dense<0.000000e+00> : vector<1024x256xf32>
    %dot_general3A_157 = tpu.matmul %max3A_152, %get3A_155, %dot_general3A_156 {dimension_numbers = #tpu.dot_dimension_numbers<[1], [0], [0], [1], [0, 0, 1, 1], [], []>, transpose_lhs_hint = false} : vector<1024x256xf32>, vector<256x256xf32>, vector<1024x256xf32> -> vector<1024x256xf32>
    %get3A_158 = arith.constant 0 : index
    %get3A_159 = arith.constant 0 : index
    %get3A_160 = vector.load %arg24[%get3A_158, %get3A_159] : memref<1x256xf32, #tpu.memory_space<vmem>>, vector<1x256xf32>
    %add3A_161 = vector.broadcast %get3A_160 : vector<1x256xf32> to vector<1024x256xf32>
    %add3A_162 = arith.addf %dot_general3A_157, %add3A_161 : vector<1024x256xf32>
    %max3A_163 = arith.constant 0.000000e+00 : f32
    %max3A_164 = vector.broadcast %max3A_163 : f32 to vector<1024x256xf32>
    %max3A_165 = arith.maximumf %add3A_162, %max3A_164 : vector<1024x256xf32>
    %get3A_166 = arith.constant 0 : index
    %get3A_167 = arith.constant 0 : index
    %get3A_168 = vector.load %arg25[%get3A_166, %get3A_167] : memref<256x256xf32, #tpu.memory_space<vmem>>, vector<256x256xf32>
    %dot_general3A_169 = arith.constant dense<0.000000e+00> : vector<1024x256xf32>
    %dot_general3A_170 = tpu.matmul %max3A_165, %get3A_168, %dot_general3A_169 {dimension_numbers = #tpu.dot_dimension_numbers<[1], [0], [0], [1], [0, 0, 1, 1], [], []>, transpose_lhs_hint = false} : vector<1024x256xf32>, vector<256x256xf32>, vector<1024x256xf32> -> vector<1024x256xf32>
    %get3A_171 = arith.constant 0 : index
    %get3A_172 = arith.constant 0 : index
    %get3A_173 = vector.load %arg26[%get3A_171, %get3A_172] : memref<1x256xf32, #tpu.memory_space<vmem>>, vector<1x256xf32>
    %add3A_174 = vector.broadcast %get3A_173 : vector<1x256xf32> to vector<1024x256xf32>
    %add3A_175 = arith.addf %dot_general3A_170, %add3A_174 : vector<1024x256xf32>
    %get3A_176 = arith.constant 0 : index
    %get3A_177 = arith.constant 0 : index
    %get3A_178 = vector.load %arg27[%get3A_176, %get3A_177] : memref<1x256xf32, #tpu.memory_space<vmem>>, vector<1x256xf32>
    %get3A_179 = arith.constant 0 : index
    %get3A_180 = arith.constant 0 : index
    %get3A_181 = vector.load %arg28[%get3A_179, %get3A_180] : memref<1x256xf32, #tpu.memory_space<vmem>>, vector<1x256xf32>
    %reduce_sum3A_182 = arith.constant dense<0.000000e+00> : vector<1024xf32>
    %reduce_sum3A_183 = vector.multi_reduction <add>, %add3A_175, %reduce_sum3A_182 [1] : vector<1024x256xf32> to vector<1024xf32>
    %broadcast_in_dim3A_184 = vector.shape_cast %reduce_sum3A_183 : vector<1024xf32> to vector<1024x1xf32>
    %div3A_185 = arith.constant 2.560000e+02 : f32
    %div3A_186 = vector.broadcast %div3A_185 : f32 to vector<1024x1xf32>
    %div3A_187 = arith.divf %broadcast_in_dim3A_184, %div3A_186 : vector<1024x1xf32>
    %sub3A_188 = vector.broadcast %div3A_187 : vector<1024x1xf32> to vector<1024x256xf32>
    %sub3A_189 = arith.subf %add3A_175, %sub3A_188 : vector<1024x256xf32>
    %mul3A_190 = arith.mulf %sub3A_189, %sub3A_189 : vector<1024x256xf32>
    %reduce_sum3A_191 = arith.constant dense<0.000000e+00> : vector<1024xf32>
    %reduce_sum3A_192 = vector.multi_reduction <add>, %mul3A_190, %reduce_sum3A_191 [1] : vector<1024x256xf32> to vector<1024xf32>
    %broadcast_in_dim3A_193 = vector.shape_cast %reduce_sum3A_192 : vector<1024xf32> to vector<1024x1xf32>
    %div3A_194 = arith.constant 2.560000e+02 : f32
    %div3A_195 = vector.broadcast %div3A_194 : f32 to vector<1024x1xf32>
    %div3A_196 = arith.divf %broadcast_in_dim3A_193, %div3A_195 : vector<1024x1xf32>
    %add3A_197 = arith.constant 9.99999974E-6 : f32
    %add3A_198 = vector.broadcast %add3A_197 : f32 to vector<1024x1xf32>
    %add3A_199 = arith.addf %div3A_196, %add3A_198 : vector<1024x1xf32>
    %rsqrt3A_200 = math.rsqrt %add3A_199 : vector<1024x1xf32>
    %mul3A_201 = vector.broadcast %rsqrt3A_200 : vector<1024x1xf32> to vector<1024x256xf32>
    %mul3A_202 = arith.mulf %sub3A_189, %mul3A_201 : vector<1024x256xf32>
    %mul3A_203 = vector.broadcast %get3A_178 : vector<1x256xf32> to vector<1024x256xf32>
    %mul3A_204 = arith.mulf %mul3A_202, %mul3A_203 : vector<1024x256xf32>
    %add3A_205 = vector.broadcast %get3A_181 : vector<1x256xf32> to vector<1024x256xf32>
    %add3A_206 = arith.addf %mul3A_204, %add3A_205 : vector<1024x256xf32>
    %add3A_207 = arith.addf %add3A_206, %add3A_129 : vector<1024x256xf32>
    %transpose3A = tpu.transpose %add3A_207, [1, 0] : vector<1024x256xf32> -> vector<256x1024xf32>
    %swap3A = arith.constant 0 : index
    %swap3A_208 = arith.constant 0 : index
    %swap3A_209 = vector.load %arg29[%swap3A, %swap3A_208] : memref<256x1024xf32, #tpu.memory_space<vmem>>, vector<256x1024xf32>
    tpu.vector_store %arg29[%swap3A, %swap3A_208], %transpose3A {strides = array<i32>} : memref<256x1024xf32, #tpu.memory_space<vmem>>, vector<256x1024xf32>,
    return
  }
  func.func @transform_0(%arg0: i32) -> (i32, i32) {
    %c0_i32 = arith.constant 0 : i32
    %c0_i32_0 = arith.constant 0 : i32
    return %arg0, %c0_i32 : i32, i32
  }
  func.func @transform_1(%arg0: i32) -> (i32, i32) {
    %c0_i32 = arith.constant 0 : i32
    %c0_i32_0 = arith.constant 0 : i32
    return %arg0, %c0_i32 : i32, i32
  }
  func.func @transform_2(%arg0: i32) -> (i32, i32) {
    %c0_i32 = arith.constant 0 : i32
    %c0_i32_0 = arith.constant 0 : i32
    return %arg0, %c0_i32 : i32, i32
  }
  func.func @transform_3(%arg0: i32) -> (i32, i32) {
    %c0_i32 = arith.constant 0 : i32
    %c0_i32_0 = arith.constant 0 : i32
    %c0_i32_1 = arith.constant 0 : i32
    return %c0_i32, %c0_i32_0 : i32, i32
  }
  func.func @transform_4(%arg0: i32) -> (i32, i32) {
    %c0_i32 = arith.constant 0 : i32
    %c0_i32_0 = arith.constant 0 : i32
    %c0_i32_1 = arith.constant 0 : i32
    return %c0_i32, %c0_i32_0 : i32, i32
  }
  func.func @transform_5(%arg0: i32) -> (i32, i32) {
    %c0_i32 = arith.constant 0 : i32
    %c0_i32_0 = arith.constant 0 : i32
    %c0_i32_1 = arith.constant 0 : i32
    return %c0_i32, %c0_i32_0 : i32, i32
  }
  func.func @transform_6(%arg0: i32) -> (i32, i32) {
    %c0_i32 = arith.constant 0 : i32
    %c0_i32_0 = arith.constant 0 : i32
    %c0_i32_1 = arith.constant 0 : i32
    return %c0_i32, %c0_i32_0 : i32, i32
  }
  func.func @transform_7(%arg0: i32) -> (i32, i32) {
    %c0_i32 = arith.constant 0 : i32
    %c0_i32_0 = arith.constant 0 : i32
    %c0_i32_1 = arith.constant 0 : i32
    return %c0_i32, %c0_i32_0 : i32, i32
  }
  func.func @transform_8(%arg0: i32) -> (i32, i32) {
    %c0_i32 = arith.constant 0 : i32
    %c0_i32_0 = arith.constant 0 : i32
    %c0_i32_1 = arith.constant 0 : i32
    return %c0_i32, %c0_i32_0 : i32, i32
  }
  func.func @transform_9(%arg0: i32) -> (i32, i32) {
    %c0_i32 = arith.constant 0 : i32
    %c0_i32_0 = arith.constant 0 : i32
    %c0_i32_1 = arith.constant 0 : i32
    return %c0_i32, %c0_i32_0 : i32, i32
  }
  func.func @transform_10(%arg0: i32) -> (i32, i32) {
    %c0_i32 = arith.constant 0 : i32
    %c0_i32_0 = arith.constant 0 : i32
    %c0_i32_1 = arith.constant 0 : i32
    return %c0_i32, %c0_i32_0 : i32, i32
  }
  func.func @transform_11(%arg0: i32) -> (i32, i32) {
    %c0_i32 = arith.constant 0 : i32
    %c0_i32_0 = arith.constant 0 : i32
    %c0_i32_1 = arith.constant 0 : i32
    return %c0_i32, %c0_i32_0 : i32, i32
  }
  func.func @transform_12(%arg0: i32) -> (i32, i32) {
    %c0_i32 = arith.constant 0 : i32
    %c0_i32_0 = arith.constant 0 : i32
    %c0_i32_1 = arith.constant 0 : i32
    return %c0_i32, %c0_i32_0 : i32, i32
  }
  func.func @transform_13(%arg0: i32) -> (i32, i32) {
    %c0_i32 = arith.constant 0 : i32
    %c0_i32_0 = arith.constant 0 : i32
    %c0_i32_1 = arith.constant 0 : i32
    return %c0_i32, %c0_i32_0 : i32, i32
  }
  func.func @transform_14(%arg0: i32) -> (i32, i32) {
    %c0_i32 = arith.constant 0 : i32
    %c0_i32_0 = arith.constant 0 : i32
    %c0_i32_1 = arith.constant 0 : i32
    return %c0_i32, %c0_i32_0 : i32, i32
  }
  func.func @transform_15(%arg0: i32) -> (i32, i32) {
    %c0_i32 = arith.constant 0 : i32
    %c0_i32_0 = arith.constant 0 : i32
    %c0_i32_1 = arith.constant 0 : i32
    return %c0_i32, %c0_i32_0 : i32, i32
  }
  func.func @transform_16(%arg0: i32) -> (i32, i32) {
    %c0_i32 = arith.constant 0 : i32
    %c0_i32_0 = arith.constant 0 : i32
    %c0_i32_1 = arith.constant 0 : i32
    return %c0_i32, %c0_i32_0 : i32, i32
  }
  func.func @transform_17(%arg0: i32) -> (i32, i32) {
    %c0_i32 = arith.constant 0 : i32
    %c0_i32_0 = arith.constant 0 : i32
    %c0_i32_1 = arith.constant 0 : i32
    return %c0_i32, %c0_i32_0 : i32, i32
  }
  func.func @transform_18(%arg0: i32) -> (i32, i32) {
    %c0_i32 = arith.constant 0 : i32
    %c0_i32_0 = arith.constant 0 : i32
    %c0_i32_1 = arith.constant 0 : i32
    return %c0_i32, %c0_i32_0 : i32, i32
  }
  func.func @transform_19(%arg0: i32) -> (i32, i32) {
    %c0_i32 = arith.constant 0 : i32
    %c0_i32_0 = arith.constant 0 : i32
    %c0_i32_1 = arith.constant 0 : i32
    return %c0_i32, %c0_i32_0 : i32, i32
  }
  func.func @transform_20(%arg0: i32) -> (i32, i32) {
    %c0_i32 = arith.constant 0 : i32
    %c0_i32_0 = arith.constant 0 : i32
    %c0_i32_1 = arith.constant 0 : i32
    return %c0_i32, %c0_i32_0 : i32, i32
  }
  func.func @transform_21(%arg0: i32) -> (i32, i32) {
    %c0_i32 = arith.constant 0 : i32
    %c0_i32_0 = arith.constant 0 : i32
    %c0_i32_1 = arith.constant 0 : i32
    return %c0_i32, %c0_i32_0 : i32, i32
  }
  func.func @transform_22(%arg0: i32) -> (i32, i32) {
    %c0_i32 = arith.constant 0 : i32
    %c0_i32_0 = arith.constant 0 : i32
    %c0_i32_1 = arith.constant 0 : i32
    return %c0_i32, %c0_i32_0 : i32, i32
  }
  func.func @transform_23(%arg0: i32) -> (i32, i32) {
    %c0_i32 = arith.constant 0 : i32
    %c0_i32_0 = arith.constant 0 : i32
    %c0_i32_1 = arith.constant 0 : i32
    return %c0_i32, %c0_i32_0 : i32, i32
  }
  func.func @transform_24(%arg0: i32) -> (i32, i32) {
    %c0_i32 = arith.constant 0 : i32
    %c0_i32_0 = arith.constant 0 : i32
    %c0_i32_1 = arith.constant 0 : i32
    return %c0_i32, %c0_i32_0 : i32, i32
  }
  func.func @transform_25(%arg0: i32) -> (i32, i32) {
    %c0_i32 = arith.constant 0 : i32
    %c0_i32_0 = arith.constant 0 : i32
    %c0_i32_1 = arith.constant 0 : i32
    return %c0_i32, %c0_i32_0 : i32, i32
  }
  func.func @transform_26(%arg0: i32) -> (i32, i32) {
    %c0_i32 = arith.constant 0 : i32
    %c0_i32_0 = arith.constant 0 : i32
    %c0_i32_1 = arith.constant 0 : i32
    return %c0_i32, %c0_i32_0 : i32, i32
  }
  func.func @transform_27(%arg0: i32) -> (i32, i32) {
    %c0_i32 = arith.constant 0 : i32
    %c0_i32_0 = arith.constant 0 : i32
    %c0_i32_1 = arith.constant 0 : i32
    return %c0_i32, %c0_i32_0 : i32, i32
  }
  func.func @transform_28(%arg0: i32) -> (i32, i32) {
    %c0_i32 = arith.constant 0 : i32
    %c0_i32_0 = arith.constant 0 : i32
    return %c0_i32, %arg0 : i32, i32
  }
}

module attributes {stable_mosaic.version = 14 : i64} {
  func.func @_lat_kernel(%arg0: i32, %arg1: memref<1024x2xf32, #tpu.memory_space<vmem>>, %arg2: memref<2x256xf32, #tpu.memory_space<vmem>>, %arg3: memref<1x256xf32, #tpu.memory_space<vmem>>, %arg4: memref<256x256xf32, #tpu.memory_space<vmem>>, %arg5: memref<1x256xf32, #tpu.memory_space<vmem>>, %arg6: memref<256x256xf32, #tpu.memory_space<vmem>>, %arg7: memref<1x256xf32, #tpu.memory_space<vmem>>, %arg8: memref<1x256xf32, #tpu.memory_space<vmem>>, %arg9: memref<1x256xf32, #tpu.memory_space<vmem>>, %arg10: memref<1024x256xf32, #tpu.memory_space<vmem>>) attributes {dimension_semantics = [#tpu.dimension_semantics<arbitrary>], iteration_bounds = array<i64: 41>, scalar_prefetch = 0 : i64, scratch_operands = 0 : i64, tpu.core_type = #tpu.core_type<tc>, window_params = [{transform_indices = @transform_0, window_bounds = array<i64: 1024, 2>}, {pipeline_mode = #tpu.pipeline_mode<synchronous>, transform_indices = @transform_1, window_bounds = array<i64: 2, 256>}, {pipeline_mode = #tpu.pipeline_mode<synchronous>, transform_indices = @transform_2, window_bounds = array<i64: 1, 256>}, {pipeline_mode = #tpu.pipeline_mode<synchronous>, transform_indices = @transform_3, window_bounds = array<i64: 256, 256>}, {pipeline_mode = #tpu.pipeline_mode<synchronous>, transform_indices = @transform_4, window_bounds = array<i64: 1, 256>}, {pipeline_mode = #tpu.pipeline_mode<synchronous>, transform_indices = @transform_5, window_bounds = array<i64: 256, 256>}, {pipeline_mode = #tpu.pipeline_mode<synchronous>, transform_indices = @transform_6, window_bounds = array<i64: 1, 256>}, {pipeline_mode = #tpu.pipeline_mode<synchronous>, transform_indices = @transform_7, window_bounds = array<i64: 1, 256>}, {pipeline_mode = #tpu.pipeline_mode<synchronous>, transform_indices = @transform_8, window_bounds = array<i64: 1, 256>}, {transform_indices = @transform_9, window_bounds = array<i64: 1024, 256>}]} {
    %get3A = arith.constant 0 : index
    %get3A_0 = arith.constant 0 : index
    %get3A_1 = vector.load %arg1[%get3A, %get3A_0] : memref<1024x2xf32, #tpu.memory_space<vmem>>, vector<1024x2xf32>
    %get3A_2 = arith.constant 0 : index
    %get3A_3 = arith.constant 0 : index
    %get3A_4 = vector.load %arg2[%get3A_2, %get3A_3] : memref<2x256xf32, #tpu.memory_space<vmem>>, vector<2x256xf32>
    %dot_general3A = arith.constant dense<0.000000e+00> : vector<1024x256xf32>
    %dot_general3A_5 = tpu.matmul %get3A_1, %get3A_4, %dot_general3A {dimension_numbers = #tpu.dot_dimension_numbers<[1], [0], [0], [1], [0, 0, 1, 1], [], []>, transpose_lhs_hint = false} : vector<1024x2xf32>, vector<2x256xf32>, vector<1024x256xf32> -> vector<1024x256xf32>
    %get3A_6 = arith.constant 0 : index
    %get3A_7 = arith.constant 0 : index
    %get3A_8 = vector.load %arg3[%get3A_6, %get3A_7] : memref<1x256xf32, #tpu.memory_space<vmem>>, vector<1x256xf32>
    %add3A = vector.broadcast %get3A_8 : vector<1x256xf32> to vector<1024x256xf32>
    %add3A_9 = arith.addf %dot_general3A_5, %add3A : vector<1024x256xf32>
    %max3A = arith.constant 0.000000e+00 : f32
    %max3A_10 = vector.broadcast %max3A : f32 to vector<1024x256xf32>
    %max3A_11 = arith.maximumf %add3A_9, %max3A_10 : vector<1024x256xf32>
    %get3A_12 = arith.constant 0 : index
    %get3A_13 = arith.constant 0 : index
    %get3A_14 = vector.load %arg4[%get3A_12, %get3A_13] : memref<256x256xf32, #tpu.memory_space<vmem>>, vector<256x256xf32>
    %dot_general3A_15 = arith.constant dense<0.000000e+00> : vector<1024x256xf32>
    %dot_general3A_16 = tpu.matmul %max3A_11, %get3A_14, %dot_general3A_15 {dimension_numbers = #tpu.dot_dimension_numbers<[1], [0], [0], [1], [0, 0, 1, 1], [], []>, transpose_lhs_hint = false} : vector<1024x256xf32>, vector<256x256xf32>, vector<1024x256xf32> -> vector<1024x256xf32>
    %get3A_17 = arith.constant 0 : index
    %get3A_18 = arith.constant 0 : index
    %get3A_19 = vector.load %arg5[%get3A_17, %get3A_18] : memref<1x256xf32, #tpu.memory_space<vmem>>, vector<1x256xf32>
    %add3A_20 = vector.broadcast %get3A_19 : vector<1x256xf32> to vector<1024x256xf32>
    %add3A_21 = arith.addf %dot_general3A_16, %add3A_20 : vector<1024x256xf32>
    %max3A_22 = arith.constant 0.000000e+00 : f32
    %max3A_23 = vector.broadcast %max3A_22 : f32 to vector<1024x256xf32>
    %max3A_24 = arith.maximumf %add3A_21, %max3A_23 : vector<1024x256xf32>
    %get3A_25 = arith.constant 0 : index
    %get3A_26 = arith.constant 0 : index
    %get3A_27 = vector.load %arg6[%get3A_25, %get3A_26] : memref<256x256xf32, #tpu.memory_space<vmem>>, vector<256x256xf32>
    %dot_general3A_28 = arith.constant dense<0.000000e+00> : vector<1024x256xf32>
    %dot_general3A_29 = tpu.matmul %max3A_24, %get3A_27, %dot_general3A_28 {dimension_numbers = #tpu.dot_dimension_numbers<[1], [0], [0], [1], [0, 0, 1, 1], [], []>, transpose_lhs_hint = false} : vector<1024x256xf32>, vector<256x256xf32>, vector<1024x256xf32> -> vector<1024x256xf32>
    %get3A_30 = arith.constant 0 : index
    %get3A_31 = arith.constant 0 : index
    %get3A_32 = vector.load %arg7[%get3A_30, %get3A_31] : memref<1x256xf32, #tpu.memory_space<vmem>>, vector<1x256xf32>
    %add3A_33 = vector.broadcast %get3A_32 : vector<1x256xf32> to vector<1024x256xf32>
    %add3A_34 = arith.addf %dot_general3A_29, %add3A_33 : vector<1024x256xf32>
    %get3A_35 = arith.constant 0 : index
    %get3A_36 = arith.constant 0 : index
    %get3A_37 = vector.load %arg8[%get3A_35, %get3A_36] : memref<1x256xf32, #tpu.memory_space<vmem>>, vector<1x256xf32>
    %get3A_38 = arith.constant 0 : index
    %get3A_39 = arith.constant 0 : index
    %get3A_40 = vector.load %arg9[%get3A_38, %get3A_39] : memref<1x256xf32, #tpu.memory_space<vmem>>, vector<1x256xf32>
    %reduce_sum3A = arith.constant dense<0.000000e+00> : vector<1024xf32>
    %reduce_sum3A_41 = vector.multi_reduction <add>, %add3A_34, %reduce_sum3A [1] : vector<1024x256xf32> to vector<1024xf32>
    %broadcast_in_dim3A = vector.shape_cast %reduce_sum3A_41 : vector<1024xf32> to vector<1024x1xf32>
    %div3A = arith.constant 2.560000e+02 : f32
    %div3A_42 = vector.broadcast %div3A : f32 to vector<1024x1xf32>
    %div3A_43 = arith.divf %broadcast_in_dim3A, %div3A_42 : vector<1024x1xf32>
    %sub3A = vector.broadcast %div3A_43 : vector<1024x1xf32> to vector<1024x256xf32>
    %sub3A_44 = arith.subf %add3A_34, %sub3A : vector<1024x256xf32>
    %mul3A = arith.mulf %sub3A_44, %sub3A_44 : vector<1024x256xf32>
    %reduce_sum3A_45 = arith.constant dense<0.000000e+00> : vector<1024xf32>
    %reduce_sum3A_46 = vector.multi_reduction <add>, %mul3A, %reduce_sum3A_45 [1] : vector<1024x256xf32> to vector<1024xf32>
    %broadcast_in_dim3A_47 = vector.shape_cast %reduce_sum3A_46 : vector<1024xf32> to vector<1024x1xf32>
    %div3A_48 = arith.constant 2.560000e+02 : f32
    %div3A_49 = vector.broadcast %div3A_48 : f32 to vector<1024x1xf32>
    %div3A_50 = arith.divf %broadcast_in_dim3A_47, %div3A_49 : vector<1024x1xf32>
    %add3A_51 = arith.constant 9.99999974E-6 : f32
    %add3A_52 = vector.broadcast %add3A_51 : f32 to vector<1024x1xf32>
    %add3A_53 = arith.addf %div3A_50, %add3A_52 : vector<1024x1xf32>
    %rsqrt3A = math.rsqrt %add3A_53 : vector<1024x1xf32>
    %mul3A_54 = vector.broadcast %rsqrt3A : vector<1024x1xf32> to vector<1024x256xf32>
    %mul3A_55 = arith.mulf %sub3A_44, %mul3A_54 : vector<1024x256xf32>
    %mul3A_56 = vector.broadcast %get3A_37 : vector<1x256xf32> to vector<1024x256xf32>
    %mul3A_57 = arith.mulf %mul3A_55, %mul3A_56 : vector<1024x256xf32>
    %add3A_58 = vector.broadcast %get3A_40 : vector<1x256xf32> to vector<1024x256xf32>
    %add3A_59 = arith.addf %mul3A_57, %add3A_58 : vector<1024x256xf32>
    %swap3A = arith.constant 0 : index
    %swap3A_60 = arith.constant 0 : index
    %swap3A_61 = vector.load %arg10[%swap3A, %swap3A_60] : memref<1024x256xf32, #tpu.memory_space<vmem>>, vector<1024x256xf32>
    tpu.vector_store %arg10[%swap3A, %swap3A_60], %add3A_59 {strides = array<i32>} : memref<1024x256xf32, #tpu.memory_space<vmem>>, vector<1024x256xf32>,
    return
  }
  func.func @transform_0(%arg0: i32) -> (i32, i32) {
    %c0_i32 = arith.constant 0 : i32
    %c0_i32_0 = arith.constant 0 : i32
    return %arg0, %c0_i32 : i32, i32
  }
  func.func @transform_1(%arg0: i32) -> (i32, i32) {
    %c0_i32 = arith.constant 0 : i32
    %c0_i32_0 = arith.constant 0 : i32
    %c0_i32_1 = arith.constant 0 : i32
    return %c0_i32, %c0_i32_0 : i32, i32
  }
  func.func @transform_2(%arg0: i32) -> (i32, i32) {
    %c0_i32 = arith.constant 0 : i32
    %c0_i32_0 = arith.constant 0 : i32
    %c0_i32_1 = arith.constant 0 : i32
    return %c0_i32, %c0_i32_0 : i32, i32
  }
  func.func @transform_3(%arg0: i32) -> (i32, i32) {
    %c0_i32 = arith.constant 0 : i32
    %c0_i32_0 = arith.constant 0 : i32
    %c0_i32_1 = arith.constant 0 : i32
    return %c0_i32, %c0_i32_0 : i32, i32
  }
  func.func @transform_4(%arg0: i32) -> (i32, i32) {
    %c0_i32 = arith.constant 0 : i32
    %c0_i32_0 = arith.constant 0 : i32
    %c0_i32_1 = arith.constant 0 : i32
    return %c0_i32, %c0_i32_0 : i32, i32
  }
  func.func @transform_5(%arg0: i32) -> (i32, i32) {
    %c0_i32 = arith.constant 0 : i32
    %c0_i32_0 = arith.constant 0 : i32
    %c0_i32_1 = arith.constant 0 : i32
    return %c0_i32, %c0_i32_0 : i32, i32
  }
  func.func @transform_6(%arg0: i32) -> (i32, i32) {
    %c0_i32 = arith.constant 0 : i32
    %c0_i32_0 = arith.constant 0 : i32
    %c0_i32_1 = arith.constant 0 : i32
    return %c0_i32, %c0_i32_0 : i32, i32
  }
  func.func @transform_7(%arg0: i32) -> (i32, i32) {
    %c0_i32 = arith.constant 0 : i32
    %c0_i32_0 = arith.constant 0 : i32
    %c0_i32_1 = arith.constant 0 : i32
    return %c0_i32, %c0_i32_0 : i32, i32
  }
  func.func @transform_8(%arg0: i32) -> (i32, i32) {
    %c0_i32 = arith.constant 0 : i32
    %c0_i32_0 = arith.constant 0 : i32
    %c0_i32_1 = arith.constant 0 : i32
    return %c0_i32, %c0_i32_0 : i32, i32
  }
  func.func @transform_9(%arg0: i32) -> (i32, i32) {
    %c0_i32 = arith.constant 0 : i32
    %c0_i32_0 = arith.constant 0 : i32
    return %arg0, %c0_i32 : i32, i32
  }
}

module attributes {stable_mosaic.version = 14 : i64} {
  func.func @_nodeproc_kernel(%arg0: i32, %arg1: memref<256x256xf32, #tpu.memory_space<vmem>>, %arg2: memref<2x256x256xf32, #tpu.memory_space<vmem>>, %arg3: memref<256x256xf32, #tpu.memory_space<vmem>>, %arg4: memref<256x256xf32, #tpu.memory_space<vmem>>, %arg5: memref<1x256xf32, #tpu.memory_space<vmem>>, %arg6: memref<256x256xf32, #tpu.memory_space<vmem>>, %arg7: memref<1x256xf32, #tpu.memory_space<vmem>>, %arg8: memref<256x256xf32, #tpu.memory_space<vmem>>, %arg9: memref<1x256xf32, #tpu.memory_space<vmem>>, %arg10: memref<1x256xf32, #tpu.memory_space<vmem>>, %arg11: memref<1x256xf32, #tpu.memory_space<vmem>>, %arg12: memref<256x256xf32, #tpu.memory_space<vmem>>) attributes {dimension_semantics = [#tpu.dimension_semantics<arbitrary>], iteration_bounds = array<i64: 23>, scalar_prefetch = 0 : i64, scratch_operands = 0 : i64, tpu.core_type = #tpu.core_type<tc>, window_params = [{transform_indices = @transform_0, window_bounds = array<i64: 256, 256>}, {transform_indices = @transform_1, window_bounds = array<i64: 2, 256, 256>}, {pipeline_mode = #tpu.pipeline_mode<synchronous>, transform_indices = @transform_2, window_bounds = array<i64: 256, 256>}, {pipeline_mode = #tpu.pipeline_mode<synchronous>, transform_indices = @transform_3, window_bounds = array<i64: 256, 256>}, {pipeline_mode = #tpu.pipeline_mode<synchronous>, transform_indices = @transform_4, window_bounds = array<i64: 1, 256>}, {pipeline_mode = #tpu.pipeline_mode<synchronous>, transform_indices = @transform_5, window_bounds = array<i64: 256, 256>}, {pipeline_mode = #tpu.pipeline_mode<synchronous>, transform_indices = @transform_6, window_bounds = array<i64: 1, 256>}, {pipeline_mode = #tpu.pipeline_mode<synchronous>, transform_indices = @transform_7, window_bounds = array<i64: 256, 256>}, {pipeline_mode = #tpu.pipeline_mode<synchronous>, transform_indices = @transform_8, window_bounds = array<i64: 1, 256>}, {pipeline_mode = #tpu.pipeline_mode<synchronous>, transform_indices = @transform_9, window_bounds = array<i64: 1, 256>}, {pipeline_mode = #tpu.pipeline_mode<synchronous>, transform_indices = @transform_10, window_bounds = array<i64: 1, 256>}, {transform_indices = @transform_11, window_bounds = array<i64: 256, 256>}]} {
    %get3A = arith.constant 0 : index
    %get3A_0 = arith.constant 0 : index
    %get3A_1 = vector.load %arg1[%get3A, %get3A_0] : memref<256x256xf32, #tpu.memory_space<vmem>>, vector<256x256xf32>
    %get3A_2 = arith.constant 0 : index
    %get3A_3 = arith.constant 0 : index
    %get3A_4 = arith.constant 0 : index
    %get3A_5 = vector.load %arg2[%get3A_2, %get3A_3, %get3A_4] : memref<2x256x256xf32, #tpu.memory_space<vmem>>, vector<2x256x256xf32>
    %slice3A = vector.extract_strided_slice %get3A_5 {offsets = [0, 0, 0], sizes = [1, 256, 256], strides = [1, 1, 1]} : vector<2x256x256xf32> to vector<1x256x256xf32>
    %squeeze3A = vector.shape_cast %slice3A : vector<1x256x256xf32> to vector<256x256xf32>
    %slice3A_6 = vector.extract_strided_slice %get3A_5 {offsets = [1, 0, 0], sizes = [1, 256, 256], strides = [1, 1, 1]} : vector<2x256x256xf32> to vector<1x256x256xf32>
    %squeeze3A_7 = vector.shape_cast %slice3A_6 : vector<1x256x256xf32> to vector<256x256xf32>
    %add3A = arith.addf %squeeze3A, %squeeze3A_7 : vector<256x256xf32>
    %transpose3A = tpu.transpose %add3A, [1, 0] : vector<256x256xf32> -> vector<256x256xf32>
    %get3A_8 = arith.constant 0 : index
    %get3A_9 = arith.constant 0 : index
    %get3A_10 = vector.load %arg3[%get3A_8, %get3A_9] : memref<256x256xf32, #tpu.memory_space<vmem>>, vector<256x256xf32>
    %dot_general3A = arith.constant dense<0.000000e+00> : vector<256x256xf32>
    %dot_general3A_11 = tpu.matmul %get3A_1, %get3A_10, %dot_general3A {dimension_numbers = #tpu.dot_dimension_numbers<[1], [0], [0], [1], [0, 0, 1, 1], [], []>, transpose_lhs_hint = false} : vector<256x256xf32>, vector<256x256xf32>, vector<256x256xf32> -> vector<256x256xf32>
    %get3A_12 = arith.constant 0 : index
    %get3A_13 = arith.constant 0 : index
    %get3A_14 = vector.load %arg4[%get3A_12, %get3A_13] : memref<256x256xf32, #tpu.memory_space<vmem>>, vector<256x256xf32>
    %dot_general3A_15 = arith.constant dense<0.000000e+00> : vector<256x256xf32>
    %dot_general3A_16 = tpu.matmul %transpose3A, %get3A_14, %dot_general3A_15 {dimension_numbers = #tpu.dot_dimension_numbers<[1], [0], [0], [1], [0, 0, 1, 1], [], []>, transpose_lhs_hint = false} : vector<256x256xf32>, vector<256x256xf32>, vector<256x256xf32> -> vector<256x256xf32>
    %add3A_17 = arith.addf %dot_general3A_11, %dot_general3A_16 : vector<256x256xf32>
    %get3A_18 = arith.constant 0 : index
    %get3A_19 = arith.constant 0 : index
    %get3A_20 = vector.load %arg5[%get3A_18, %get3A_19] : memref<1x256xf32, #tpu.memory_space<vmem>>, vector<1x256xf32>
    %add3A_21 = vector.broadcast %get3A_20 : vector<1x256xf32> to vector<256x256xf32>
    %add3A_22 = arith.addf %add3A_17, %add3A_21 : vector<256x256xf32>
    %max3A = arith.constant 0.000000e+00 : f32
    %max3A_23 = vector.broadcast %max3A : f32 to vector<256x256xf32>
    %max3A_24 = arith.maximumf %add3A_22, %max3A_23 : vector<256x256xf32>
    %get3A_25 = arith.constant 0 : index
    %get3A_26 = arith.constant 0 : index
    %get3A_27 = vector.load %arg6[%get3A_25, %get3A_26] : memref<256x256xf32, #tpu.memory_space<vmem>>, vector<256x256xf32>
    %dot_general3A_28 = arith.constant dense<0.000000e+00> : vector<256x256xf32>
    %dot_general3A_29 = tpu.matmul %max3A_24, %get3A_27, %dot_general3A_28 {dimension_numbers = #tpu.dot_dimension_numbers<[1], [0], [0], [1], [0, 0, 1, 1], [], []>, transpose_lhs_hint = false} : vector<256x256xf32>, vector<256x256xf32>, vector<256x256xf32> -> vector<256x256xf32>
    %get3A_30 = arith.constant 0 : index
    %get3A_31 = arith.constant 0 : index
    %get3A_32 = vector.load %arg7[%get3A_30, %get3A_31] : memref<1x256xf32, #tpu.memory_space<vmem>>, vector<1x256xf32>
    %add3A_33 = vector.broadcast %get3A_32 : vector<1x256xf32> to vector<256x256xf32>
    %add3A_34 = arith.addf %dot_general3A_29, %add3A_33 : vector<256x256xf32>
    %max3A_35 = arith.constant 0.000000e+00 : f32
    %max3A_36 = vector.broadcast %max3A_35 : f32 to vector<256x256xf32>
    %max3A_37 = arith.maximumf %add3A_34, %max3A_36 : vector<256x256xf32>
    %get3A_38 = arith.constant 0 : index
    %get3A_39 = arith.constant 0 : index
    %get3A_40 = vector.load %arg8[%get3A_38, %get3A_39] : memref<256x256xf32, #tpu.memory_space<vmem>>, vector<256x256xf32>
    %dot_general3A_41 = arith.constant dense<0.000000e+00> : vector<256x256xf32>
    %dot_general3A_42 = tpu.matmul %max3A_37, %get3A_40, %dot_general3A_41 {dimension_numbers = #tpu.dot_dimension_numbers<[1], [0], [0], [1], [0, 0, 1, 1], [], []>, transpose_lhs_hint = false} : vector<256x256xf32>, vector<256x256xf32>, vector<256x256xf32> -> vector<256x256xf32>
    %get3A_43 = arith.constant 0 : index
    %get3A_44 = arith.constant 0 : index
    %get3A_45 = vector.load %arg9[%get3A_43, %get3A_44] : memref<1x256xf32, #tpu.memory_space<vmem>>, vector<1x256xf32>
    %add3A_46 = vector.broadcast %get3A_45 : vector<1x256xf32> to vector<256x256xf32>
    %add3A_47 = arith.addf %dot_general3A_42, %add3A_46 : vector<256x256xf32>
    %get3A_48 = arith.constant 0 : index
    %get3A_49 = arith.constant 0 : index
    %get3A_50 = vector.load %arg10[%get3A_48, %get3A_49] : memref<1x256xf32, #tpu.memory_space<vmem>>, vector<1x256xf32>
    %get3A_51 = arith.constant 0 : index
    %get3A_52 = arith.constant 0 : index
    %get3A_53 = vector.load %arg11[%get3A_51, %get3A_52] : memref<1x256xf32, #tpu.memory_space<vmem>>, vector<1x256xf32>
    %reduce_sum3A = arith.constant dense<0.000000e+00> : vector<256xf32>
    %reduce_sum3A_54 = vector.multi_reduction <add>, %add3A_47, %reduce_sum3A [1] : vector<256x256xf32> to vector<256xf32>
    %broadcast_in_dim3A = vector.shape_cast %reduce_sum3A_54 : vector<256xf32> to vector<256x1xf32>
    %div3A = arith.constant 2.560000e+02 : f32
    %div3A_55 = vector.broadcast %div3A : f32 to vector<256x1xf32>
    %div3A_56 = arith.divf %broadcast_in_dim3A, %div3A_55 : vector<256x1xf32>
    %sub3A = vector.broadcast %div3A_56 : vector<256x1xf32> to vector<256x256xf32>
    %sub3A_57 = arith.subf %add3A_47, %sub3A : vector<256x256xf32>
    %mul3A = arith.mulf %sub3A_57, %sub3A_57 : vector<256x256xf32>
    %reduce_sum3A_58 = arith.constant dense<0.000000e+00> : vector<256xf32>
    %reduce_sum3A_59 = vector.multi_reduction <add>, %mul3A, %reduce_sum3A_58 [1] : vector<256x256xf32> to vector<256xf32>
    %broadcast_in_dim3A_60 = vector.shape_cast %reduce_sum3A_59 : vector<256xf32> to vector<256x1xf32>
    %div3A_61 = arith.constant 2.560000e+02 : f32
    %div3A_62 = vector.broadcast %div3A_61 : f32 to vector<256x1xf32>
    %div3A_63 = arith.divf %broadcast_in_dim3A_60, %div3A_62 : vector<256x1xf32>
    %add3A_64 = arith.constant 9.99999974E-6 : f32
    %add3A_65 = vector.broadcast %add3A_64 : f32 to vector<256x1xf32>
    %add3A_66 = arith.addf %div3A_63, %add3A_65 : vector<256x1xf32>
    %rsqrt3A = math.rsqrt %add3A_66 : vector<256x1xf32>
    %mul3A_67 = vector.broadcast %rsqrt3A : vector<256x1xf32> to vector<256x256xf32>
    %mul3A_68 = arith.mulf %sub3A_57, %mul3A_67 : vector<256x256xf32>
    %mul3A_69 = vector.broadcast %get3A_50 : vector<1x256xf32> to vector<256x256xf32>
    %mul3A_70 = arith.mulf %mul3A_68, %mul3A_69 : vector<256x256xf32>
    %add3A_71 = vector.broadcast %get3A_53 : vector<1x256xf32> to vector<256x256xf32>
    %add3A_72 = arith.addf %mul3A_70, %add3A_71 : vector<256x256xf32>
    %add3A_73 = arith.addf %add3A_72, %get3A_1 : vector<256x256xf32>
    %swap3A = arith.constant 0 : index
    %swap3A_74 = arith.constant 0 : index
    %swap3A_75 = vector.load %arg12[%swap3A, %swap3A_74] : memref<256x256xf32, #tpu.memory_space<vmem>>, vector<256x256xf32>
    tpu.vector_store %arg12[%swap3A, %swap3A_74], %add3A_73 {strides = array<i32>} : memref<256x256xf32, #tpu.memory_space<vmem>>, vector<256x256xf32>,
    return
  }
  func.func @transform_0(%arg0: i32) -> (i32, i32) {
    %c0_i32 = arith.constant 0 : i32
    %c0_i32_0 = arith.constant 0 : i32
    return %arg0, %c0_i32 : i32, i32
  }
  func.func @transform_1(%arg0: i32) -> (i32, i32, i32) {
    %c0_i32 = arith.constant 0 : i32
    %c0_i32_0 = arith.constant 0 : i32
    %c0_i32_1 = arith.constant 0 : i32
    return %c0_i32, %c0_i32_0, %arg0 : i32, i32, i32
  }
  func.func @transform_2(%arg0: i32) -> (i32, i32) {
    %c0_i32 = arith.constant 0 : i32
    %c0_i32_0 = arith.constant 0 : i32
    %c0_i32_1 = arith.constant 0 : i32
    return %c0_i32, %c0_i32_0 : i32, i32
  }
  func.func @transform_3(%arg0: i32) -> (i32, i32) {
    %c0_i32 = arith.constant 0 : i32
    %c0_i32_0 = arith.constant 0 : i32
    %c0_i32_1 = arith.constant 0 : i32
    return %c0_i32, %c0_i32_0 : i32, i32
  }
  func.func @transform_4(%arg0: i32) -> (i32, i32) {
    %c0_i32 = arith.constant 0 : i32
    %c0_i32_0 = arith.constant 0 : i32
    %c0_i32_1 = arith.constant 0 : i32
    return %c0_i32, %c0_i32_0 : i32, i32
  }
  func.func @transform_5(%arg0: i32) -> (i32, i32) {
    %c0_i32 = arith.constant 0 : i32
    %c0_i32_0 = arith.constant 0 : i32
    %c0_i32_1 = arith.constant 0 : i32
    return %c0_i32, %c0_i32_0 : i32, i32
  }
  func.func @transform_6(%arg0: i32) -> (i32, i32) {
    %c0_i32 = arith.constant 0 : i32
    %c0_i32_0 = arith.constant 0 : i32
    %c0_i32_1 = arith.constant 0 : i32
    return %c0_i32, %c0_i32_0 : i32, i32
  }
  func.func @transform_7(%arg0: i32) -> (i32, i32) {
    %c0_i32 = arith.constant 0 : i32
    %c0_i32_0 = arith.constant 0 : i32
    %c0_i32_1 = arith.constant 0 : i32
    return %c0_i32, %c0_i32_0 : i32, i32
  }
  func.func @transform_8(%arg0: i32) -> (i32, i32) {
    %c0_i32 = arith.constant 0 : i32
    %c0_i32_0 = arith.constant 0 : i32
    %c0_i32_1 = arith.constant 0 : i32
    return %c0_i32, %c0_i32_0 : i32, i32
  }
  func.func @transform_9(%arg0: i32) -> (i32, i32) {
    %c0_i32 = arith.constant 0 : i32
    %c0_i32_0 = arith.constant 0 : i32
    %c0_i32_1 = arith.constant 0 : i32
    return %c0_i32, %c0_i32_0 : i32, i32
  }
  func.func @transform_10(%arg0: i32) -> (i32, i32) {
    %c0_i32 = arith.constant 0 : i32
    %c0_i32_0 = arith.constant 0 : i32
    %c0_i32_1 = arith.constant 0 : i32
    return %c0_i32, %c0_i32_0 : i32, i32
  }
  func.func @transform_11(%arg0: i32) -> (i32, i32) {
    %c0_i32 = arith.constant 0 : i32
    %c0_i32_0 = arith.constant 0 : i32
    return %arg0, %c0_i32 : i32, i32
  }
}

</mosaic_0001>

<sc_bundles>
// kernel: kernel.11.cloned.1.call-start
scs
__scs_entry_jumppad:
0x0: {  	(pc) =	sbr.rel $0x88, $3  }
0x1: {  	(tag) =	ssettag $0x0;
	lr =	simm.s32 $0x1  }
0x2: {  	[smem:$0x3F73] =	sst lr;
	_ =	strace $0xD0000000  }
0x3: {  	_ = 	snop  }
0x4: {  	_ = 	snop  }
0x5: {  	_ = 	snop  }
0x6: {  	_ = 	snop  }
0x7: {  	_ = 	snop  }
__scs_overlays_trampoline_lowered:
0x8: {  	[smem:$0x3F82] =	sst s0  }
0x9: {  	[smem:$0x3F83] =	sst s1  }
0xa: {  	[smem:$0x3F84] =	sst s2  }
0xb: {  	[smem:$0x3F85] =	sst s3  }
0xc: {  	[smem:$0x3F86] =	sst s4  }
0xd: {  	[smem:$0x3F87] =	sst s5  }
0xe: {  	[smem:$0x3F88] =	sst s6  }
0xf: {  	[smem:$0x3F89] =	sst s7  }
0x10: {  	[smem:$0x3F8A] =	sst s8  }
0x11: {  	[smem:$0x3F8B] =	sst s9;
	s0 =	simm.s32 @!p0 $0x0  }
0x12: {  	s1 =	sld [smem:$0x3F71];
	s0 =	simm.s32 @p0 $0x1  }
0x13: {  	[smem:$0x3F8C] =	sst s0;
	s0 =	simm.s32 @!p1 $0x0  }
0x14: {  	s2 =	sld [smem:$0x3F70];
	s0 =	simm.s32 @p1 $0x1  }
0x15: {  	[smem:$0x3F8D] =	sst s0;
	s0 =	simm.s32 @!p2 $0x0  }
0x16: {  	s3 =	sld [smem:$0x3FDB];
	s0 =	simm.s32 @p2 $0x1  }
0x17: {  	s4 =	simm.s32 $0x1BF5;
	[smem:$0x3F8F] =	sst s0  }
0x18: {  	s0 =	sld [smem:$0x3F72];
	_ =	swait.ge [sflag:s4], $0x0  }
0x19: {  	s7 =	sld [smem:$0x3F73]  }
0x1a: {  	s8 =	sadd.s32 $0xFFFFE003, lr  }
0x1b: {  	s9 =	sadd.s32 $0xFFFFFEF7, lr;
	s5 =	simm.s32 $0xFFFFFFFF;
	p2 =	slt.u32 s8, $0xFFFFF086  }
0x1c: {  	p1 =	slt.u32 s9, $0xF7A;
	s5 =	simm.s32 @!p2 $0x0  }
0x1d: {  	s5 =	simm.s32 @p1 $0x1;
	p0 =	seq.s32 s7, s2  }
0x1e: {  	s7 =	smul.u32 @!p0 $0xF7A, s2;
	p2 =	seq.s32 @!p0 s5, $0x0  }
0x1f: {  	s9 =	smul.u32 $0xF7A, s1;
	s8 =	simm.s32 @!p0 $0x1BF5;
	p2 =	por !p2, p0  }
0x20: {  	[sflag:s8] =	ssyncset.s32 @!p0 $0xFFFFF086;
	s6 =	sadd.s32 @!p0 s3, s7;
	s7 =	simm.s32 @!p0 $0x108  }
0x21: {  	s3 =	sadd.s32 s3, s9;
	s6 =	sadd.s32 @!p0 $0x88, s6;
	s7 =	simm.s32 @p2 $0x1082  }
0x22: {  	[simem:s7], [sflag:s8] =	dma.local @!p0 [hbm:s6], $0xF7A  }
0x23: {  	s9 =	sor.u32 $0xD0000000, s2;
	s6 =	simm.s32 $0x108;
	_ =	swait.ge @!p0 [sflag:s8], $0x0  }
0x24: {  	s3 =	sadd.s32 $0x88, s3;
	s6 =	simm.s32 @!p1 $0x1082;
	[sflag:s4] =	ssyncset.s32 $0xFFFFF086  }
0x25: {  	[simem:s6], [sflag:s4] =	dma.local [hbm:s3], $0xF7A  }
0x26: {  	[smem:$0x3F73] =	sst s1;
	(tag) =	ssettag s2;
	_ =	strace s9  }
0x27: {  	s1 =	sld [smem:$0x3F83]  }
0x28: {  	s2 =	sld [smem:$0x3F84]  }
0x29: {  	s4 =	sld [smem:$0x3F86]  }
0x2a: {  	p0 =	seq.s32 s5, $0x0;
	s5 =	sld [smem:$0x3F87]  }
0x2b: {  	s6 =	sld [smem:$0x3F88]  }
0x2c: {  	s7 =	sld [smem:$0x3F89]  }
0x2d: {  	s3 =	simm.s32 $0x108;
	s8 =	sld [smem:$0x3F8A]  }
0x2e: {  	s3 =	simm.s32 @!p0 $0x1082;
	s9 =	sld [smem:$0x3F8B]  }
0x2f: {  	lr =	sadd.s32 s0, s3;
	s0 =	sld [smem:$0x3F82]  }
0x30: {  	s3 =	sld [smem:$0x3F85]  }
0x31: {  	[smem:$0x3F8E] =	sst s10  }
0x32: {  	s10 =	sld [smem:$0x3F8C];
	_ =	sdelay $0x3  }
0x33: {  	p0 =	seq.s32 s10, $0x1;
	s10 =	sld [smem:$0x3F8E];
	_ =	sdelay $0x3  }
0x34: {  	[smem:$0x3F8E] =	sst s10  }
0x35: {  	s10 =	sld [smem:$0x3F8D];
	_ =	sdelay $0x3  }
0x36: {  	p1 =	seq.s32 s10, $0x1;
	s10 =	sld [smem:$0x3F8E];
	_ =	sdelay $0x3  }
0x37: {  	[smem:$0x3F8E] =	sst s10  }
0x38: {  	s10 =	sld [smem:$0x3F8F]  }
0x39: {  	_ = 	snop;
	(pc) =	sbr.ind lr, $3  }
0x3a: {  	_ = 	snop  }
0x3b: {  	_ = 	snop  }
0x3c: {  	p2 =	seq.s32 s10, $0x1;
	s10 =	sld [smem:$0x3F8E]  }
0x3d: {  	_ =	shalt  }
0x3e: {  	_ =	shalt  }
0x3f: {  	_ =	shalt  }
0x40: {  	_ =	shalt  }
0x41: {  	_ =	shalt  }
0x42: {  	_ =	shalt  }
0x43: {  	_ =	shalt  }
0x44: {  	_ =	shalt  }
0x45: {  	_ =	shalt  }
0x46: {  	_ =	shalt  }
0x47: {  	_ =	shalt  }
0x48: {  	_ =	shalt  }
0x49: {  	_ =	shalt  }
0x4a: {  	_ =	shalt  }
0x4b: {  	_ =	shalt  }
0x4c: {  	_ =	shalt  }
0x4d: {  	_ =	shalt  }
0x4e: {  	_ =	shalt  }
0x4f: {  	_ =	shalt  }
0x50: {  	_ =	shalt  }
0x51: {  	_ =	shalt  }
0x52: {  	_ =	shalt  }
0x53: {  	_ =	shalt  }
0x54: {  	_ =	shalt  }
0x55: {  	_ =	shalt  }
0x56: {  	_ =	shalt  }
0x57: {  	_ =	shalt  }
0x58: {  	_ =	shalt  }
0x59: {  	_ =	shalt  }
0x5a: {  	_ =	shalt  }
0x5b: {  	_ =	shalt  }
0x5c: {  	_ =	shalt  }
0x5d: {  	_ =	shalt  }
0x5e: {  	_ =	shalt  }
0x5f: {  	_ =	shalt  }
0x60: {  	_ =	shalt  }
0x61: {  	_ =	shalt  }
0x62: {  	_ =	shalt  }
0x63: {  	_ =	shalt  }
0x64: {  	_ =	shalt  }
0x65: {  	_ =	shalt  }
0x66: {  	_ =	shalt  }
0x67: {  	_ =	shalt  }
0x68: {  	_ =	shalt  }
0x69: {  	_ =	shalt  }
0x6a: {  	_ =	shalt  }
0x6b: {  	_ =	shalt  }
0x6c: {  	_ =	shalt  }
0x6d: {  	_ =	shalt  }
0x6e: {  	_ =	shalt  }
0x6f: {  	_ =	shalt  }
0x70: {  	_ =	shalt  }
0x71: {  	_ =	shalt  }
0x72: {  	_ =	shalt  }
0x73: {  	_ =	shalt  }
0x74: {  	_ =	shalt  }
0x75: {  	_ =	shalt  }
0x76: {  	_ =	shalt  }
0x77: {  	_ =	shalt  }
0x78: {  	_ =	shalt  }
0x79: {  	_ =	shalt  }
0x7a: {  	_ =	shalt  }
0x7b: {  	_ =	shalt  }
0x7c: {  	_ =	shalt  }
0x7d: {  	_ =	shalt  }
0x7e: {  	_ =	shalt  }
0x7f: {  	_ =	shalt  }
0x80: {  	_ =	shalt  }
0x81: {  	_ =	shalt  }
0x82: {  	_ =	shalt  }
0x83: {  	_ =	shalt  }
0x84: {  	_ =	shalt  }
0x85: {  	_ =	shalt  }
0x86: {  	_ =	shalt  }
0x87: {  	_ =	shalt  }
.Lfunc_end0:
.L_simem_size_0:
called_computation.1_lowered:
.L_overlay_start_0:
0x88: {  	s2 =	sld [smem:$0x3FD9]  }
0x89: {  	s3 =	sld [smem:$0x3FFE];
	_ =	sdelay $0x1  }
0x8a: {  	s1 =	srdreg.scid  }
0x8b: {  	s0 =	sand.u32 $0x1, s1  }
0x8c: {  	s16 =	sshll.u32 s0, $0xA;
	s2 =	sadd.s32 s3, s2  }
0x8d: {  	s2 =	sadd.s32 s2, s16  }
0x8e: {  	[smem:$0x3F9A] =	sst s2  }
0x8f: {  	_ = 	snop  }
0x90: {  	(tm) =	ssettm $0x1  }
0x91: {  	s17 =	sld [smem:$0x3FFB];
	_ =	sdelay $0x3  }
0x92: {  	_ =	strace s17  }
0x93: {  	s2 =	sld [smem:$0x3FFC];
	_ =	sdelay $0x3  }
0x94: {  	_ =	strace s2  }
0x95: {  	s2 =	sld [smem:$0x3FFD];
	_ =	sdelay $0x3  }
0x96: {  	_ =	strace s2  }
0x97: {  	_ =	strace $0x8FFFFFFF  }
0x98: {  	s18 =	sld [smem:$0x3FDB];
	_ =	sdelay $0x1  }
0x99: {  	s19 =	simm.s32 $_scs_section_size  }
0x9a: {  	s4 =	simm.s32 $_size__tile_overlayer_lowered;
	s5 =	simm.s32 $_tile_overlayer_lowered  }
0x9b: {  	s22 =	simm.s32 $0x1BFF;
	s21 =	sshll.u32 s5, $0x1;
	s2 =	sadd.s32 s19, s18  }
0x9c: {  	s6 =	simm.s32 $0x0;
	s20 =	sshll.u32 s4, $0x1;
	s4 =	sadd.s32 s21, s2  }
0x9d: {  	[timem:s6], [sflag:s22] =	dma.local [hbm:s4], s20  }
0x9e: {  	_ =	swait.ge [sflag:s22], s20  }
0x9f: {  	s3 =	ssub.s32 $0x0, s20;
	[sflag:s22] =	ssyncset.done $0x0  }
0xa0: {  	[sflag:s22] =	ssyncadd.s32 s3;
	_ =	sdelay $0x1  }
0xa1: {  	s23 =	simm.s32 $0x1B8B  }
0xa2: {  	_ =	swait.ge [sflag:s23], $0x1  }
0xa3: {  	[sflag:s23] =	ssyncset.done $0x0  }
0xa4: {  	s25 =	simm.s32 $0x1B8E;
	s24 =	sld [smem:$0x3FFE];
	[sflag:s23] =	ssyncadd.s32 $0xFFFFFFFF  }
0xa5: {  	s26 =	simm.s32 $execute0_lowered;
	[smem:$0x3FD2] =	sst s25  }
0xa6: {  	s4 =	sshll.u32 s26, $0x1;
	_ =	strace $0x80000049;
	[dreg:$0x1] =	wrdreg $0xFFFFFFFF  }
0xa7: {  	s28 =	simm.s32 $_size_execute0_lowered;
	s2 =	sadd.s32 s2, s4;
	[dreg:$0x0] =	wrdreg $0x0  }
0xa8: {  	s4 =	sshll.u32 s28, $0x1;
	[dreg:$0x2] =	wrdreg s2  }
0xa9: {  	[dreg:$0x3] =	wrdreg s4  }
0xaa: {  	[dreg:$0x4] =	wrdreg $0xC0  }
0xab: {  	_ =	task [dreg:s6], $0x5FFFF  }
0xac: {  	[dreg:$0x1] =	wrdreg $0xFFFFFFFF  }
0xad: {  	[dreg:$0x0] =	wrdreg $0x60  }
0xae: {  	[dreg:$0x2] =	wrdreg s24  }
0xaf: {  	[dreg:$0x3] =	wrdreg $0x9  }
0xb0: {  	_ =	task.clear_ibuf [dreg:s6], $0x4FFFF;
	_ =	strace $0x90000049  }
0xb1: {  	s29 =	simm.s32 $0x9;
	_ =	strace $0x8000004B  }
0xb2: {  	_ =	swait.ge [sflag:s29], $0x1  }
0xb3: {  	[sflag:s29] =	ssyncadd.s32 $0xFFFFFFFF  }
0xb4: {  	_ =	strace $0x9000004B  }
0xb5: {  	_ =	sfence  }
0xb6: {  	s30 =	sld [smem:$0x0];
	_ =	sdelay $0x2  }
0xb7: {  	s31 =	sshll.u32 s1, $0xD;
	s1 =	sshrl.u32 s1, $0x2  }
0xb8: {  	s3 =	sand.u32 $0x4000, s31;
	s1 =	sadd.s32 s1, s30  }
0xb9: {  	s0 =	sor.u32 s3, s0;
	s1 =	sshll.u32 s1, $0x11  }
0xba: {  	s0 =	sor.u32 s1, s0  }
0xbb: {  	s0 =	sadd.s32 $0x8F2B, s0  }
0xbc: {  	[sflag:s0] =	ssyncadd.remote.s32 $0x1  }
0xbd: {  	_ =	sfence.sel $0xFFFF  }
0xbe: {  	[dreg:$0x0] =	wrdreg $0xFFFFFFFF;
	(pc) =	sbr.abs _section_cstart, $3  }
0xbf: {  	[dreg:$0x1] =	wrdreg $0xFFFFFFFF  }
0xc0: {  	_ =	task.clear_ibuf [dreg:s6], $0x2FFFF;
	_ =	strace $0x9FFFFFFF  }
0xc1: {  	(tm) =	ssettm $0x7FFFFFFF  }
tec
execute0_lowered:
.L_overlay_start_1:
0x0: {  	(tag) =	ssettag $0x1  }
0x1: {  	s6 =	rddreg [dreg:$0x0]  }
0x2: {  	s0 =	rddreg [dreg:$0x1];
	s2 =	simm.s32 $0x0  }
0x3: {  	s1 =	srdreg.scid;
	s14 =	simm.s32 $0x2000;
	s15 =	simm.s32 $0x68000  }
0x4: {  	s16 =	simm.s32 $0x17800;
	s17 =	simm.s32 $0x17400;
	s5 =	sand.u32 $0x1, s1  }
0x5: {  	s18 =	simm.s32 $0x1B800;
	s1 =	stileid.u32;
	s7 =	smul.u32 $0x170000, s5  }
0x6: {  	s19 =	simm.s32 $0x1;
	s20 =	simm.s32 $0x2;
	s8 =	smul.u32 $0x17000, s1  }
0x7: {  	s21 =	simm.s32 $0x0;
	[smem:$0x7FF] =	sst s2;
	s3 =	smul.u32 $0x6800, s5  }
0x8: {  	s9 =	sadd.s32 $0x2A6A00, s6;
	s4 =	sadd.s32 $0x7000, s6;
	s28 =	smul.u32 $0xD0000, s1  }
0x9: {  	_ =	strace $0x8000004A;
	s10 =	ssub.s32 $0x2, s5;
	s11 =	smul.u32 $0x34000, s5  }
0xa: {  	s5 =	sadd.s32 $0x8A00, s6;
	s29 =	sshrl.u32 s10, $0x1;
	s7 =	sadd.s32 s8, s7  }
0xb: {  	s13 =	ssub.s32 s10, s29;
	s30 =	sshrl.u32 s3, $0x3;
	s8 =	sshrl.u32 s28, $0x3  }
0xc: {  	s31 =	sadd.s32 s11, s28;
	s7 =	sshrl.u32 s7, $0x3;
	s8 =	sadd.s32 s9, s8  }
0xd: {  	s11 =	smax.u32 s13, $0x1;
	s12 =	sadd.s32 s7, s6;
	s7 =	sshrl.u32 s31, $0x3  }
0xe: {  	s13 =	simm.s32 $0x17000;
	s6 =	sadd.s32 s4, s30;
	s7 =	sadd.s32 s9, s7  }
0xf: {  	s9 =	sadd.s32 $0x800, s3;
	s10 =	sadd.s32 $0xB800, s12;
	s12 =	simm.s32 $0x3  }
.LBB2_1:
0x10: {  	[tilespmem:s2], [sflag:$0x3] =	stream.linear.gather [hbm4b:s5+s2], $0x17000, $0x38;
	[tilespmem:$0x1F800] =	vst v63  }
0x11: {  	_ =	swait.ge [sflag:s12], $0x17000  }
0x12: {  	[sflag:s12] =	ssyncset.done $0x0  }
0x13: {  	[sflag:s12] =	ssyncadd.s32 $0xFFFE9000  }
0x14: {  	[tilespmem:s13], [sflag:$0x1] =	stream.linear.gather [hbm4b:s6+s2], $0x400, $0x38;
	[tilespmem:$0x1F800] =	vst v63  }
0x15: {  	s22 =	simm.s32 $0x0  }
0x16: {  	[tilespmem:s16], [sflag:$0x1] =	stream.strided.gather [hbm4b:s7+s14], $0x4000, s15, s14, $0x38;
	[tilespmem:$0x1F800] =	vst v63  }
.LBB2_2:
0x17: {  	s23 =	sshll.u32 s22, $0xB  }
0x18: {  	s24 =	sadd.s32 s23, s3  }
0x19: {  	s25 =	sadd.s32 $0x400, s24  }
0x1a: {  	s24 =	sshrl.u32 s25, $0x3  }
0x1b: {  	s26 =	sadd.s32 s4, s24;
	s24 =	simm.s32 $0x0  }
0x1c: {  	[tilespmem:s17], [sflag:$0x2] =	stream.linear.gather [hbm4b:s26+s24], $0x400, $0x38;
	[tilespmem:$0x1F800] =	vst v63  }
0x1d: {  	s25 =	sadd.s32 s25, s8  }
0x1e: {  	[tilespmem:s18], [sflag:$0x2] =	stream.strided.gather [hbm4b:s25+s14], $0x4000, s15, s14, $0x38;
	[tilespmem:$0x1F800] =	vst v63  }
0x1f: {  	_ =	swait.ge [sflag:s19], $0x400  }
0x20: {  	[sflag:s19] =	ssyncset.done $0x0  }
0x21: {  	[sflag:s19] =	ssyncadd.s32 $0xFFFFFC00  }
0x22: {  	_ =	swait.ge [sflag:s19], $0x4000  }
0x23: {  	[sflag:s19] =	ssyncset.done $0x0  }
0x24: {  	s25 =	simm.s32 $0x17000;
	[sflag:s19] =	ssyncadd.s32 $0xFFFFC000  }
0x25: {  	v0 =	vld [tilespmem:s25+$0x0];
	_ =	sdelay $0x4  }
0x26: {  	s30 =	sand.u32 $0x70, s24;
	s28 =	sand.u32 $0x1C00, s24;
	v1 =	vshll.u32 v0, $0x3  }
0x27: {  	s28 =	sor.u32 s30, s28;
	v0 =	vand.u32 $0x7F, v0;
	v1 =	vand.u32 $0xFFFFFC00, v1  }
0x28: {  	v2 =	vld [tilespmem:s28+$0x17800];
	v0 =	vor.u32 v0, v1;
	_ =	sdelay $0x4  }
0x29: {  	s26 =	sadd.s32 $0x17800, s28;
	[tilespmem:v0+s2+$0x0] =	vst.idx.add.f32.msk $0xffff, v2  }
0x2a: {  	v2 =	vor.u32 $0x80, v0;
	v1 =	vld [tilespmem:s26+$0x80];
	_ =	sdelay $0x4  }
0x2b: {  	[tilespmem:v2+s2+$0x0] =	vst.idx.add.f32.msk $0xffff, v1  }
0x2c: {  	v2 =	vor.u32 $0x100, v0;
	v1 =	vld [tilespmem:s26+$0x100];
	_ =	sdelay $0x4  }
0x2d: {  	[tilespmem:v2+s2+$0x0] =	vst.idx.add.f32.msk $0xffff, v1  }
0x2e: {  	v2 =	vor.u32 $0x180, v0;
	v1 =	vld [tilespmem:s26+$0x180];
	_ =	sdelay $0x4  }
0x2f: {  	[tilespmem:v2+s2+$0x0] =	vst.idx.add.f32.msk $0xffff, v1  }
0x30: {  	v2 =	vor.u32 $0x200, v0;
	v1 =	vld [tilespmem:s26+$0x200];
	_ =	sdelay $0x4  }
0x31: {  	[tilespmem:v2+s2+$0x0] =	vst.idx.add.f32.msk $0xffff, v1  }
0x32: {  	v2 =	vor.u32 $0x280, v0;
	v1 =	vld [tilespmem:s26+$0x280];
	_ =	sdelay $0x4  }
0x33: {  	[tilespmem:v2+s2+$0x0] =	vst.idx.add.f32.msk $0xffff, v1  }
0x34: {  	v2 =	vor.u32 $0x300, v0;
	v1 =	vld [tilespmem:s26+$0x300];
	_ =	sdelay $0x3  }
0x35: {  	s31 =	sor.u32 s24, s24  }
0x36: {  	s26 =	sor.u32 $0x380, s31;
	[tilespmem:v2+s2+$0x0] =	vst.idx.add.f32.msk $0xffff, v1  }
0x37: {  	v2 =	vor.u32 $0x380, v0;
	v1 =	vld [tilespmem:s26+$0x17800];
	_ =	sdelay $0x4  }
0x38: {  	[tilespmem:v2+s2+$0x0] =	vst.idx.add.f32.msk $0xffff, v1  }
0x39: {  	v2 =	vadd.s32 $0xB800, v0;
	v1 =	vld [tilespmem:s28+$0x19800];
	_ =	sdelay $0x4  }
0x3a: {  	[tilespmem:v2+s2+$0x0] =	vst.idx.add.f32.msk $0xffff, v1  }
0x3b: {  	v2 =	vadd.s32 $0xB880, v0;
	v1 =	vld [tilespmem:s28+$0x19880];
	_ =	sdelay $0x4  }
0x3c: {  	[tilespmem:v2+s2+$0x0] =	vst.idx.add.f32.msk $0xffff, v1  }
0x3d: {  	v2 =	vadd.s32 $0xB900, v0;
	v1 =	vld [tilespmem:s28+$0x19900];
	_ =	sdelay $0x4  }
0x3e: {  	[tilespmem:v2+s2+$0x0] =	vst.idx.add.f32.msk $0xffff, v1  }
0x3f: {  	v2 =	vadd.s32 $0xB980, v0;
	v1 =	vld [tilespmem:s28+$0x19980];
	_ =	sdelay $0x4  }
0x40: {  	[tilespmem:v2+s2+$0x0] =	vst.idx.add.f32.msk $0xffff, v1  }
0x41: {  	v2 =	vadd.s32 $0xBA00, v0;
	v1 =	vld [tilespmem:s28+$0x19A00];
	_ =	sdelay $0x4  }
0x42: {  	[tilespmem:v2+s2+$0x0] =	vst.idx.add.f32.msk $0xffff, v1  }
0x43: {  	v2 =	vadd.s32 $0xBA80, v0;
	v1 =	vld [tilespmem:s28+$0x19A80];
	_ =	sdelay $0x4  }
0x44: {  	[tilespmem:v2+s2+$0x0] =	vst.idx.add.f32.msk $0xffff, v1  }
0x45: {  	v2 =	vadd.s32 $0xBB00, v0;
	v1 =	vld [tilespmem:s28+$0x19B00];
	_ =	sdelay $0x4  }
0x46: {  	[tilespmem:v2+s2+$0x0] =	vst.idx.add.f32.msk $0xffff, v1  }
0x47: {  	s26 =	simm.s32 $0x10;
	v0 =	vadd.s32 $0xBB80, v0;
	v1 =	vld [tilespmem:s28+$0x19B80]  }
.LBB2_3:
0x48: {  	_ =	sdelay $0x3  }
0x49: {  	p0 =	sne.s32 s26, $0x3F0;
	s24 =	sadd.s32 $0x80, s24;
	s25 =	sadd.s32 $0x10, s25;
	[tilespmem:v0+s2+$0x0] =	vst.idx.add.f32.msk $0xffff, v1  }
0x4a: {  	s29 =	smov.u32 s26;
	s26 =	sadd.s32 $0x10, s26;
	v0 =	vld [tilespmem:s25+$0x0];
	_ =	sdelay $0x4  }
0x4b: {  	s28 =	sand.u32 $0x70, s29;
	s30 =	sand.u32 $0x1C00, s24;
	v1 =	vshll.u32 v0, $0x3  }
0x4c: {  	s28 =	sor.u32 s28, s30;
	v0 =	vand.u32 $0x7F, v0;
	v1 =	vand.u32 $0xFFFFFC00, v1  }
0x4d: {  	v2 =	vld [tilespmem:s28+$0x17800];
	v0 =	vor.u32 v0, v1;
	_ =	sdelay $0x4  }
0x4e: {  	s30 =	sadd.s32 $0x17800, s28;
	[tilespmem:v0+s2+$0x0] =	vst.idx.add.f32.msk $0xffff, v2  }
0x4f: {  	v2 =	vor.u32 $0x80, v0;
	v1 =	vld [tilespmem:s30+$0x80];
	_ =	sdelay $0x4  }
0x50: {  	[tilespmem:v2+s2+$0x0] =	vst.idx.add.f32.msk $0xffff, v1  }
0x51: {  	v2 =	vor.u32 $0x100, v0;
	v1 =	vld [tilespmem:s30+$0x100];
	_ =	sdelay $0x4  }
0x52: {  	[tilespmem:v2+s2+$0x0] =	vst.idx.add.f32.msk $0xffff, v1  }
0x53: {  	v2 =	vor.u32 $0x180, v0;
	v1 =	vld [tilespmem:s30+$0x180];
	_ =	sdelay $0x4  }
0x54: {  	[tilespmem:v2+s2+$0x0] =	vst.idx.add.f32.msk $0xffff, v1  }
0x55: {  	v2 =	vor.u32 $0x200, v0;
	v1 =	vld [tilespmem:s30+$0x200];
	_ =	sdelay $0x4  }
0x56: {  	[tilespmem:v2+s2+$0x0] =	vst.idx.add.f32.msk $0xffff, v1  }
0x57: {  	v2 =	vor.u32 $0x280, v0;
	v1 =	vld [tilespmem:s30+$0x280];
	_ =	sdelay $0x4  }
0x58: {  	[tilespmem:v2+s2+$0x0] =	vst.idx.add.f32.msk $0xffff, v1  }
0x59: {  	v2 =	vor.u32 $0x300, v0;
	v1 =	vld [tilespmem:s30+$0x300];
	_ =	sdelay $0x3  }
0x5a: {  	s29 =	sor.u32 s24, s29  }
0x5b: {  	s29 =	sor.u32 $0x380, s29;
	[tilespmem:v2+s2+$0x0] =	vst.idx.add.f32.msk $0xffff, v1  }
0x5c: {  	v2 =	vor.u32 $0x380, v0;
	v1 =	vld [tilespmem:s29+$0x17800];
	_ =	sdelay $0x4  }
0x5d: {  	[tilespmem:v2+s2+$0x0] =	vst.idx.add.f32.msk $0xffff, v1  }
0x5e: {  	v2 =	vadd.s32 $0xB800, v0;
	v1 =	vld [tilespmem:s28+$0x19800];
	_ =	sdelay $0x4  }
0x5f: {  	[tilespmem:v2+s2+$0x0] =	vst.idx.add.f32.msk $0xffff, v1  }
0x60: {  	v2 =	vadd.s32 $0xB880, v0;
	v1 =	vld [tilespmem:s28+$0x19880];
	_ =	sdelay $0x4  }
0x61: {  	[tilespmem:v2+s2+$0x0] =	vst.idx.add.f32.msk $0xffff, v1  }
0x62: {  	v2 =	vadd.s32 $0xB900, v0;
	v1 =	vld [tilespmem:s28+$0x19900];
	_ =	sdelay $0x4  }
0x63: {  	[tilespmem:v2+s2+$0x0] =	vst.idx.add.f32.msk $0xffff, v1  }
0x64: {  	v2 =	vadd.s32 $0xB980, v0;
	v1 =	vld [tilespmem:s28+$0x19980];
	_ =	sdelay $0x4  }
0x65: {  	[tilespmem:v2+s2+$0x0] =	vst.idx.add.f32.msk $0xffff, v1  }
0x66: {  	v2 =	vadd.s32 $0xBA00, v0;
	v1 =	vld [tilespmem:s28+$0x19A00];
	_ =	sdelay $0x4  }
0x67: {  	[tilespmem:v2+s2+$0x0] =	vst.idx.add.f32.msk $0xffff, v1  }
0x68: {  	v2 =	vadd.s32 $0xBA80, v0;
	v1 =	vld [tilespmem:s28+$0x19A80];
	_ =	sdelay $0x4  }
0x69: {  	[tilespmem:v2+s2+$0x0] =	vst.idx.add.f32.msk $0xffff, v1  }
0x6a: {  	v2 =	vadd.s32 $0xBB00, v0;
	v1 =	vld [tilespmem:s28+$0x19B00];
	_ =	sdelay $0x1  }
.Ltmp0:
0x6b: {  	(pc) =	sbr.rel @p0 .LBB2_3-.Ltmp0, $3  }
0x6c: {  	_ =	sdelay $0x1  }
0x6d: {  	[tilespmem:v2+s2+$0x0] =	vst.idx.add.f32.msk $0xffff, v1  }
0x6e: {  	v0 =	vadd.s32 $0xBB80, v0;
	v1 =	vld [tilespmem:s28+$0x19B80]  }
0x6f: {  	_ = 	snop  }
0x70: {  	p0 =	seq.s32 s22, $0xC  }
0x71: {  	s23 =	sadd.s32 @!p0 s23, s9  }
0x72: {  	s25 =	simm.s32 @!p0 $0x0;
	s24 =	sshrl.u32 @!p0 s23, $0x3  }
0x73: {  	s26 =	simm.s32 @!p0 $0x17000;
	s23 =	sadd.s32 @!p0 s23, s8;
	s24 =	sadd.s32 @!p0 s4, s24;
	[tilespmem:v0+s2+$0x0] =	vst.idx.add.f32.msk $0xffff, v1  }
0x74: {  	[tilespmem:s26], [sflag:$0x1] =	stream.linear.gather @!p0 [hbm4b:s24+s25], $0x400, $0x38;
	[tilespmem:$0x1F800] =	vst v63  }
0x75: {  	s24 =	simm.s32 @!p0 $0x2000;
	s25 =	simm.s32 @!p0 $0x68000;
	s26 =	simm.s32 @!p0 $0x17800  }
0x76: {  	[tilespmem:s26], [sflag:$0x1] =	stream.strided.gather @!p0 [hbm4b:s23+s24], $0x4000, s25, s24, $0x38;
	[tilespmem:$0x1F800] =	vst v63  }
0x77: {  	_ =	swait.ge [sflag:s20], $0x400  }
0x78: {  	[sflag:s20] =	ssyncset.done $0x0  }
0x79: {  	[sflag:s20] =	ssyncadd.s32 $0xFFFFFC00  }
0x7a: {  	_ =	swait.ge [sflag:s20], $0x4000  }
0x7b: {  	[sflag:s20] =	ssyncset.done $0x0  }
0x7c: {  	s23 =	simm.s32 $0x17400;
	[sflag:s20] =	ssyncadd.s32 $0xFFFFC000  }
0x7d: {  	v0 =	vld [tilespmem:s23+$0x0];
	_ =	sdelay $0x3  }
0x7e: {  	s24 =	simm.s32 $0x0  }
0x7f: {  	s29 =	sand.u32 $0x70, s24;
	s30 =	sand.u32 $0x1C00, s24;
	v1 =	vshll.u32 v0, $0x3  }
0x80: {  	s26 =	sor.u32 s29, s30;
	v0 =	vand.u32 $0x7F, v0;
	v1 =	vand.u32 $0xFFFFFC00, v1  }
0x81: {  	v2 =	vld [tilespmem:s26+$0x1B800];
	v0 =	vor.u32 v0, v1;
	_ =	sdelay $0x4  }
0x82: {  	s25 =	sadd.s32 $0x1B800, s26;
	[tilespmem:v0+s2+$0x0] =	vst.idx.add.f32.msk $0xffff, v2  }
0x83: {  	v2 =	vor.u32 $0x80, v0;
	v1 =	vld [tilespmem:s25+$0x80];
	_ =	sdelay $0x4  }
0x84: {  	[tilespmem:v2+s2+$0x0] =	vst.idx.add.f32.msk $0xffff, v1  }
0x85: {  	v2 =	vor.u32 $0x100, v0;
	v1 =	vld [tilespmem:s25+$0x100];
	_ =	sdelay $0x4  }
0x86: {  	[tilespmem:v2+s2+$0x0] =	vst.idx.add.f32.msk $0xffff, v1  }
0x87: {  	v2 =	vor.u32 $0x180, v0;
	v1 =	vld [tilespmem:s25+$0x180];
	_ =	sdelay $0x4  }
0x88: {  	[tilespmem:v2+s2+$0x0] =	vst.idx.add.f32.msk $0xffff, v1  }
0x89: {  	v2 =	vor.u32 $0x200, v0;
	v1 =	vld [tilespmem:s25+$0x200];
	_ =	sdelay $0x4  }
0x8a: {  	[tilespmem:v2+s2+$0x0] =	vst.idx.add.f32.msk $0xffff, v1  }
0x8b: {  	v2 =	vor.u32 $0x280, v0;
	v1 =	vld [tilespmem:s25+$0x280];
	_ =	sdelay $0x4  }
0x8c: {  	[tilespmem:v2+s2+$0x0] =	vst.idx.add.f32.msk $0xffff, v1  }
0x8d: {  	v2 =	vor.u32 $0x300, v0;
	v1 =	vld [tilespmem:s25+$0x300];
	_ =	sdelay $0x3  }
0x8e: {  	s31 =	sor.u32 s24, s24  }
0x8f: {  	s25 =	sor.u32 $0x380, s31;
	[tilespmem:v2+s2+$0x0] =	vst.idx.add.f32.msk $0xffff, v1  }
0x90: {  	v2 =	vor.u32 $0x380, v0;
	v1 =	vld [tilespmem:s25+$0x1B800];
	_ =	sdelay $0x4  }
0x91: {  	[tilespmem:v2+s2+$0x0] =	vst.idx.add.f32.msk $0xffff, v1  }
0x92: {  	v2 =	vadd.s32 $0xB800, v0;
	v1 =	vld [tilespmem:s26+$0x1D800];
	_ =	sdelay $0x4  }
0x93: {  	[tilespmem:v2+s2+$0x0] =	vst.idx.add.f32.msk $0xffff, v1  }
0x94: {  	v2 =	vadd.s32 $0xB880, v0;
	v1 =	vld [tilespmem:s26+$0x1D880];
	_ =	sdelay $0x4  }
0x95: {  	[tilespmem:v2+s2+$0x0] =	vst.idx.add.f32.msk $0xffff, v1  }
0x96: {  	v2 =	vadd.s32 $0xB900, v0;
	v1 =	vld [tilespmem:s26+$0x1D900];
	_ =	sdelay $0x4  }
0x97: {  	[tilespmem:v2+s2+$0x0] =	vst.idx.add.f32.msk $0xffff, v1  }
0x98: {  	v2 =	vadd.s32 $0xB980, v0;
	v1 =	vld [tilespmem:s26+$0x1D980];
	_ =	sdelay $0x4  }
0x99: {  	[tilespmem:v2+s2+$0x0] =	vst.idx.add.f32.msk $0xffff, v1  }
0x9a: {  	v2 =	vadd.s32 $0xBA00, v0;
	v1 =	vld [tilespmem:s26+$0x1DA00];
	_ =	sdelay $0x4  }
0x9b: {  	[tilespmem:v2+s2+$0x0] =	vst.idx.add.f32.msk $0xffff, v1  }
0x9c: {  	v2 =	vadd.s32 $0xBA80, v0;
	v1 =	vld [tilespmem:s26+$0x1DA80];
	_ =	sdelay $0x4  }
0x9d: {  	[tilespmem:v2+s2+$0x0] =	vst.idx.add.f32.msk $0xffff, v1  }
0x9e: {  	v2 =	vadd.s32 $0xBB00, v0;
	v1 =	vld [tilespmem:s26+$0x1DB00];
	_ =	sdelay $0x4  }
0x9f: {  	[tilespmem:v2+s2+$0x0] =	vst.idx.add.f32.msk $0xffff, v1  }
0xa0: {  	s25 =	simm.s32 $0x10;
	v0 =	vadd.s32 $0xBB80, v0;
	v1 =	vld [tilespmem:s26+$0x1DB80]  }
.LBB2_5:
0xa1: {  	_ =	sdelay $0x3  }
0xa2: {  	p0 =	sne.s32 s25, $0x3F0;
	s24 =	sadd.s32 $0x80, s24;
	s23 =	sadd.s32 $0x10, s23;
	[tilespmem:v0+s2+$0x0] =	vst.idx.add.f32.msk $0xffff, v1  }
0xa3: {  	s28 =	smov.u32 s25;
	s25 =	sadd.s32 $0x10, s25;
	v0 =	vld [tilespmem:s23+$0x0];
	_ =	sdelay $0x4  }
0xa4: {  	s26 =	sand.u32 $0x70, s28;
	s29 =	sand.u32 $0x1C00, s24;
	v1 =	vshll.u32 v0, $0x3  }
0xa5: {  	s26 =	sor.u32 s26, s29;
	v0 =	vand.u32 $0x7F, v0;
	v1 =	vand.u32 $0xFFFFFC00, v1  }
0xa6: {  	v2 =	vld [tilespmem:s26+$0x1B800];
	v0 =	vor.u32 v0, v1;
	_ =	sdelay $0x4  }
0xa7: {  	s29 =	sadd.s32 $0x1B800, s26;
	[tilespmem:v0+s2+$0x0] =	vst.idx.add.f32.msk $0xffff, v2  }
0xa8: {  	v2 =	vor.u32 $0x80, v0;
	v1 =	vld [tilespmem:s29+$0x80];
	_ =	sdelay $0x4  }
0xa9: {  	[tilespmem:v2+s2+$0x0] =	vst.idx.add.f32.msk $0xffff, v1  }
0xaa: {  	v2 =	vor.u32 $0x100, v0;
	v1 =	vld [tilespmem:s29+$0x100];
	_ =	sdelay $0x4  }
0xab: {  	[tilespmem:v2+s2+$0x0] =	vst.idx.add.f32.msk $0xffff, v1  }
0xac: {  	v2 =	vor.u32 $0x180, v0;
	v1 =	vld [tilespmem:s29+$0x180];
	_ =	sdelay $0x4  }
0xad: {  	[tilespmem:v2+s2+$0x0] =	vst.idx.add.f32.msk $0xffff, v1  }
0xae: {  	v2 =	vor.u32 $0x200, v0;
	v1 =	vld [tilespmem:s29+$0x200];
	_ =	sdelay $0x4  }
0xaf: {  	[tilespmem:v2+s2+$0x0] =	vst.idx.add.f32.msk $0xffff, v1  }
0xb0: {  	v2 =	vor.u32 $0x280, v0;
	v1 =	vld [tilespmem:s29+$0x280];
	_ =	sdelay $0x4  }
0xb1: {  	[tilespmem:v2+s2+$0x0] =	vst.idx.add.f32.msk $0xffff, v1  }
0xb2: {  	v2 =	vor.u32 $0x300, v0;
	v1 =	vld [tilespmem:s29+$0x300];
	_ =	sdelay $0x3  }
0xb3: {  	s28 =	sor.u32 s24, s28  }
0xb4: {  	s28 =	sor.u32 $0x380, s28;
	[tilespmem:v2+s2+$0x0] =	vst.idx.add.f32.msk $0xffff, v1  }
0xb5: {  	v2 =	vor.u32 $0x380, v0;
	v1 =	vld [tilespmem:s28+$0x1B800];
	_ =	sdelay $0x4  }
0xb6: {  	[tilespmem:v2+s2+$0x0] =	vst.idx.add.f32.msk $0xffff, v1  }
0xb7: {  	v2 =	vadd.s32 $0xB800, v0;
	v1 =	vld [tilespmem:s26+$0x1D800];
	_ =	sdelay $0x4  }
0xb8: {  	[tilespmem:v2+s2+$0x0] =	vst.idx.add.f32.msk $0xffff, v1  }
0xb9: {  	v2 =	vadd.s32 $0xB880, v0;
	v1 =	vld [tilespmem:s26+$0x1D880];
	_ =	sdelay $0x4  }
0xba: {  	[tilespmem:v2+s2+$0x0] =	vst.idx.add.f32.msk $0xffff, v1  }
0xbb: {  	v2 =	vadd.s32 $0xB900, v0;
	v1 =	vld [tilespmem:s26+$0x1D900];
	_ =	sdelay $0x4  }
0xbc: {  	[tilespmem:v2+s2+$0x0] =	vst.idx.add.f32.msk $0xffff, v1  }
0xbd: {  	v2 =	vadd.s32 $0xB980, v0;
	v1 =	vld [tilespmem:s26+$0x1D980];
	_ =	sdelay $0x4  }
0xbe: {  	[tilespmem:v2+s2+$0x0] =	vst.idx.add.f32.msk $0xffff, v1  }
0xbf: {  	v2 =	vadd.s32 $0xBA00, v0;
	v1 =	vld [tilespmem:s26+$0x1DA00];
	_ =	sdelay $0x4  }
0xc0: {  	[tilespmem:v2+s2+$0x0] =	vst.idx.add.f32.msk $0xffff, v1  }
0xc1: {  	v2 =	vadd.s32 $0xBA80, v0;
	v1 =	vld [tilespmem:s26+$0x1DA80];
	_ =	sdelay $0x4  }
0xc2: {  	[tilespmem:v2+s2+$0x0] =	vst.idx.add.f32.msk $0xffff, v1  }
0xc3: {  	v2 =	vadd.s32 $0xBB00, v0;
	v1 =	vld [tilespmem:s26+$0x1DB00];
	_ =	sdelay $0x1  }
.Ltmp1:
0xc4: {  	(pc) =	sbr.rel @p0 .LBB2_5-.Ltmp1, $3  }
0xc5: {  	_ =	sdelay $0x1  }
0xc6: {  	[tilespmem:v2+s2+$0x0] =	vst.idx.add.f32.msk $0xffff, v1  }
0xc7: {  	v0 =	vadd.s32 $0xBB80, v0;
	v1 =	vld [tilespmem:s26+$0x1DB80]  }
0xc8: {  	s22 =	sadd.s32 $0x1, s22  }
0xc9: {  	p0 =	sne.s32 s22, $0xD  }
.Ltmp2:
0xca: {  	_ = 	snop;
	(pc) =	sbr.rel @p0 .LBB2_2-.Ltmp2, $2  }
0xcb: {  	_ =	sdelay $0x2  }
0xcc: {  	[tilespmem:v0+s2+$0x0] =	vst.idx.add.f32.msk $0xffff, v1  }
0xcd: {  	s21 =	sadd.s32 $0x1, s21  }
0xce: {  	p0 =	sne.s32 s21, s11  }
.Ltmp3:
0xcf: {  	_ = 	snop;
	(pc) =	sbr.rel @p0 .LBB2_1-.Ltmp3, $4  }
0xd0: {  	[hbm4b:s10+s2] =	stream.linear.scatter [tilespmem:s2], [sflag:$0x3], $0x17000, $0x38;
	[tilespmem:$0x1F800] =	vst v63  }
0xd1: {  	_ =	swait.ge [sflag:s12], $0x17000  }
0xd2: {  	[sflag:s12] =	ssyncset.done $0x0  }
0xd3: {  	[sflag:s12] =	ssyncadd.s32 $0xFFFE9000  }
0xd4: {  	_ =	sfence.sel $0x180000  }
0xd5: {  	[bflag:$0x0] =	sbarrier.arrive $0xFFFF  }
0xd6: {  	p0 =	sne.s32 s1, $0x0;
	_ =	strace $0x9000004A  }
0xd7: {  	s0 =	sadd.s32 @!p0 $0x100000, s0;
	[bflag:$0x2] =	sbarrier.arrive $0xFFFF  }
0xd8: {  	[sflag:s0] =	ssyncadd.tile.s32 @!p0 $0x1;
	_ =	shalt  }
.Lfunc_end2:
_tile_overlayer_lowered:
.L_overlay_start_2:
0xd9: {  	(tag) =	ssettag $0x2  }
0xda: {  	s0 =	rddreg [dreg:$0x0];
	s2 =	stileid.u32  }
0xdb: {  	s1 =	rddreg [dreg:$0x1];
	p0 =	sne.s32 s2, $0x0  }
0xdc: {  	s3 =	rddreg [dreg:$0x2];
	[bflag:$0x3] =	sbarrier.arrive $0xFFFF;
	s2 =	simm.s32 @!p0 $0x1C03  }
0xdd: {  	[timem:s3], [sflag:s2] =	dma.local @!p0 [hbm:s0], s1  }
0xde: {  	s0 =	simm.s32 @!p0 $0x3  }
0xdf: {  	_ =	swait.ge @!p0 [sflag:s0], s1  }
0xe0: {  	s1 =	ssub.s32 @!p0 $0x0, s1;
	[sflag:s0] =	ssyncset.done @!p0 $0x0  }
0xe1: {  	[sflag:s0] =	ssyncadd.s32 @!p0 s1  }
0xe2: {  	[bflag:$0x3] =	sbarrier.arrive $0xFFFF  }
0xe3: {  	_ =	shalt  }

// kernel: kernel.8.cloned.1.call-start
scs
__scs_entry_jumppad:
0x0: {  	(pc) =	sbr.rel $0x88, $3  }
0x1: {  	(tag) =	ssettag $0x0;
	lr =	simm.s32 $0x1  }
0x2: {  	[smem:$0x3F73] =	sst lr;
	_ =	strace $0xD0000000  }
0x3: {  	_ = 	snop  }
0x4: {  	_ = 	snop  }
0x5: {  	_ = 	snop  }
0x6: {  	_ = 	snop  }
0x7: {  	_ = 	snop  }
__scs_overlays_trampoline_lowered:
0x8: {  	[smem:$0x3F82] =	sst s0  }
0x9: {  	[smem:$0x3F83] =	sst s1  }
0xa: {  	[smem:$0x3F84] =	sst s2  }
0xb: {  	[smem:$0x3F85] =	sst s3  }
0xc: {  	[smem:$0x3F86] =	sst s4  }
0xd: {  	[smem:$0x3F87] =	sst s5  }
0xe: {  	[smem:$0x3F88] =	sst s6  }
0xf: {  	[smem:$0x3F89] =	sst s7  }
0x10: {  	[smem:$0x3F8A] =	sst s8  }
0x11: {  	[smem:$0x3F8B] =	sst s9;
	s0 =	simm.s32 @!p0 $0x0  }
0x12: {  	s1 =	sld [smem:$0x3F71];
	s0 =	simm.s32 @p0 $0x1  }
0x13: {  	[smem:$0x3F8C] =	sst s0;
	s0 =	simm.s32 @!p1 $0x0  }
0x14: {  	s2 =	sld [smem:$0x3F70];
	s0 =	simm.s32 @p1 $0x1  }
0x15: {  	[smem:$0x3F8D] =	sst s0;
	s0 =	simm.s32 @!p2 $0x0  }
0x16: {  	s3 =	sld [smem:$0x3FDB];
	s0 =	simm.s32 @p2 $0x1  }
0x17: {  	s4 =	simm.s32 $0x1BF5;
	[smem:$0x3F8F] =	sst s0  }
0x18: {  	s0 =	sld [smem:$0x3F72];
	_ =	swait.ge [sflag:s4], $0x0  }
0x19: {  	s7 =	sld [smem:$0x3F73]  }
0x1a: {  	s8 =	sadd.s32 $0xFFFFE003, lr  }
0x1b: {  	s9 =	sadd.s32 $0xFFFFFEF7, lr;
	s5 =	simm.s32 $0xFFFFFFFF;
	p2 =	slt.u32 s8, $0xFFFFF086  }
0x1c: {  	p1 =	slt.u32 s9, $0xF7A;
	s5 =	simm.s32 @!p2 $0x0  }
0x1d: {  	s5 =	simm.s32 @p1 $0x1;
	p0 =	seq.s32 s7, s2  }
0x1e: {  	s7 =	smul.u32 @!p0 $0xF7A, s2;
	p2 =	seq.s32 @!p0 s5, $0x0  }
0x1f: {  	s9 =	smul.u32 $0xF7A, s1;
	s8 =	simm.s32 @!p0 $0x1BF5;
	p2 =	por !p2, p0  }
0x20: {  	[sflag:s8] =	ssyncset.s32 @!p0 $0xFFFFF086;
	s6 =	sadd.s32 @!p0 s3, s7;
	s7 =	simm.s32 @!p0 $0x108  }
0x21: {  	s3 =	sadd.s32 s3, s9;
	s6 =	sadd.s32 @!p0 $0x88, s6;
	s7 =	simm.s32 @p2 $0x1082  }
0x22: {  	[simem:s7], [sflag:s8] =	dma.local @!p0 [hbm:s6], $0xF7A  }
0x23: {  	s9 =	sor.u32 $0xD0000000, s2;
	s6 =	simm.s32 $0x108;
	_ =	swait.ge @!p0 [sflag:s8], $0x0  }
0x24: {  	s3 =	sadd.s32 $0x88, s3;
	s6 =	simm.s32 @!p1 $0x1082;
	[sflag:s4] =	ssyncset.s32 $0xFFFFF086  }
0x25: {  	[simem:s6], [sflag:s4] =	dma.local [hbm:s3], $0xF7A  }
0x26: {  	[smem:$0x3F73] =	sst s1;
	(tag) =	ssettag s2;
	_ =	strace s9  }
0x27: {  	s1 =	sld [smem:$0x3F83]  }
0x28: {  	s2 =	sld [smem:$0x3F84]  }
0x29: {  	s4 =	sld [smem:$0x3F86]  }
0x2a: {  	p0 =	seq.s32 s5, $0x0;
	s5 =	sld [smem:$0x3F87]  }
0x2b: {  	s6 =	sld [smem:$0x3F88]  }
0x2c: {  	s7 =	sld [smem:$0x3F89]  }
0x2d: {  	s3 =	simm.s32 $0x108;
	s8 =	sld [smem:$0x3F8A]  }
0x2e: {  	s3 =	simm.s32 @!p0 $0x1082;
	s9 =	sld [smem:$0x3F8B]  }
0x2f: {  	lr =	sadd.s32 s0, s3;
	s0 =	sld [smem:$0x3F82]  }
0x30: {  	s3 =	sld [smem:$0x3F85]  }
0x31: {  	[smem:$0x3F8E] =	sst s10  }
0x32: {  	s10 =	sld [smem:$0x3F8C];
	_ =	sdelay $0x3  }
0x33: {  	p0 =	seq.s32 s10, $0x1;
	s10 =	sld [smem:$0x3F8E];
	_ =	sdelay $0x3  }
0x34: {  	[smem:$0x3F8E] =	sst s10  }
0x35: {  	s10 =	sld [smem:$0x3F8D];
	_ =	sdelay $0x3  }
0x36: {  	p1 =	seq.s32 s10, $0x1;
	s10 =	sld [smem:$0x3F8E];
	_ =	sdelay $0x3  }
0x37: {  	[smem:$0x3F8E] =	sst s10  }
0x38: {  	s10 =	sld [smem:$0x3F8F]  }
0x39: {  	_ = 	snop;
	(pc) =	sbr.ind lr, $3  }
0x3a: {  	_ = 	snop  }
0x3b: {  	_ = 	snop  }
0x3c: {  	p2 =	seq.s32 s10, $0x1;
	s10 =	sld [smem:$0x3F8E]  }
0x3d: {  	_ =	shalt  }
0x3e: {  	_ =	shalt  }
0x3f: {  	_ =	shalt  }
0x40: {  	_ =	shalt  }
0x41: {  	_ =	shalt  }
0x42: {  	_ =	shalt  }
0x43: {  	_ =	shalt  }
0x44: {  	_ =	shalt  }
0x45: {  	_ =	shalt  }
0x46: {  	_ =	shalt  }
0x47: {  	_ =	shalt  }
0x48: {  	_ =	shalt  }
0x49: {  	_ =	shalt  }
0x4a: {  	_ =	shalt  }
0x4b: {  	_ =	shalt  }
0x4c: {  	_ =	shalt  }
0x4d: {  	_ =	shalt  }
0x4e: {  	_ =	shalt  }
0x4f: {  	_ =	shalt  }
0x50: {  	_ =	shalt  }
0x51: {  	_ =	shalt  }
0x52: {  	_ =	shalt  }
0x53: {  	_ =	shalt  }
0x54: {  	_ =	shalt  }
0x55: {  	_ =	shalt  }
0x56: {  	_ =	shalt  }
0x57: {  	_ =	shalt  }
0x58: {  	_ =	shalt  }
0x59: {  	_ =	shalt  }
0x5a: {  	_ =	shalt  }
0x5b: {  	_ =	shalt  }
0x5c: {  	_ =	shalt  }
0x5d: {  	_ =	shalt  }
0x5e: {  	_ =	shalt  }
0x5f: {  	_ =	shalt  }
0x60: {  	_ =	shalt  }
0x61: {  	_ =	shalt  }
0x62: {  	_ =	shalt  }
0x63: {  	_ =	shalt  }
0x64: {  	_ =	shalt  }
0x65: {  	_ =	shalt  }
0x66: {  	_ =	shalt  }
0x67: {  	_ =	shalt  }
0x68: {  	_ =	shalt  }
0x69: {  	_ =	shalt  }
0x6a: {  	_ =	shalt  }
0x6b: {  	_ =	shalt  }
0x6c: {  	_ =	shalt  }
0x6d: {  	_ =	shalt  }
0x6e: {  	_ =	shalt  }
0x6f: {  	_ =	shalt  }
0x70: {  	_ =	shalt  }
0x71: {  	_ =	shalt  }
0x72: {  	_ =	shalt  }
0x73: {  	_ =	shalt  }
0x74: {  	_ =	shalt  }
0x75: {  	_ =	shalt  }
0x76: {  	_ =	shalt  }
0x77: {  	_ =	shalt  }
0x78: {  	_ =	shalt  }
0x79: {  	_ =	shalt  }
0x7a: {  	_ =	shalt  }
0x7b: {  	_ =	shalt  }
0x7c: {  	_ =	shalt  }
0x7d: {  	_ =	shalt  }
0x7e: {  	_ =	shalt  }
0x7f: {  	_ =	shalt  }
0x80: {  	_ =	shalt  }
0x81: {  	_ =	shalt  }
0x82: {  	_ =	shalt  }
0x83: {  	_ =	shalt  }
0x84: {  	_ =	shalt  }
0x85: {  	_ =	shalt  }
0x86: {  	_ =	shalt  }
0x87: {  	_ =	shalt  }
.Lfunc_end0:
.L_simem_size_0:
called_computation_lowered:
.L_overlay_start_0:
0x88: {  	s2 =	sld [smem:$0x3FD9]  }
0x89: {  	s3 =	sld [smem:$0x3FFE];
	_ =	sdelay $0x1  }
0x8a: {  	s1 =	srdreg.scid  }
0x8b: {  	s0 =	sand.u32 $0x1, s1  }
0x8c: {  	s14 =	sshll.u32 s0, $0xA;
	s2 =	sadd.s32 s3, s2  }
0x8d: {  	s2 =	sadd.s32 s2, s14  }
0x8e: {  	[smem:$0x3F9A] =	sst s2  }
0x8f: {  	_ = 	snop  }
0x90: {  	s2 =	sld [smem:$0x3FD0];
	_ =	sdelay $0x2  }
0x91: {  	s15 =	simm.s32 $0xA;
	s4 =	simm.s32 $0x10  }
0x92: {  	[smem:s4], [sflag:s15] =	dma.local [hbm:s2], $0x1  }
0x93: {  	_ =	swait.eq [sflag:s15], $0x1  }
0x94: {  	[sflag:s15] =	ssyncset.done $0x0  }
0x95: {  	[sflag:s15] =	ssyncadd.s32 $0xFFFFFFFF  }
0x96: {  	s16 =	sld [smem:$0x11];
	(tm) =	ssettm $0x1  }
0x97: {  	s17 =	sld [smem:$0x3FFB];
	_ =	sdelay $0x3  }
0x98: {  	_ =	strace s17  }
0x99: {  	s3 =	sld [smem:$0x3FFC];
	_ =	sdelay $0x3  }
0x9a: {  	_ =	strace s3  }
0x9b: {  	s3 =	sld [smem:$0x3FFD];
	_ =	sdelay $0x3  }
0x9c: {  	_ =	strace s3  }
0x9d: {  	_ =	strace $0x8FFFFFFF  }
0x9e: {  	s18 =	sld [smem:$0x3FDB];
	_ =	sdelay $0x1  }
0x9f: {  	s19 =	simm.s32 $_scs_section_size  }
0xa0: {  	s5 =	simm.s32 $_size__tile_overlayer_lowered;
	s6 =	simm.s32 $_tile_overlayer_lowered  }
0xa1: {  	s22 =	simm.s32 $0x1BFF;
	s21 =	sshll.u32 s6, $0x1;
	s3 =	sadd.s32 s19, s18  }
0xa2: {  	s7 =	simm.s32 $0x0;
	s20 =	sshll.u32 s5, $0x1;
	s5 =	sadd.s32 s21, s3  }
0xa3: {  	[timem:s7], [sflag:s22] =	dma.local [hbm:s5], s20  }
0xa4: {  	_ =	swait.ge [sflag:s22], s20  }
0xa5: {  	s4 =	ssub.s32 $0x0, s20;
	[sflag:s22] =	ssyncset.done $0x0  }
0xa6: {  	[sflag:s22] =	ssyncadd.s32 s4;
	_ =	sdelay $0x1  }
0xa7: {  	s23 =	simm.s32 $0x1B8B  }
0xa8: {  	_ =	swait.ge [sflag:s23], $0x1  }
0xa9: {  	[sflag:s23] =	ssyncset.done $0x0  }
0xaa: {  	s25 =	simm.s32 $0x1B8E;
	s24 =	sld [smem:$0x3FFE];
	[sflag:s23] =	ssyncadd.s32 $0xFFFFFFFF  }
0xab: {  	s26 =	simm.s32 $execute0_lowered;
	[smem:$0x3FD2] =	sst s25  }
0xac: {  	s5 =	sshll.u32 s26, $0x1;
	_ =	strace $0x80000046;
	[dreg:$0x1] =	wrdreg $0xFFFFFFFF  }
0xad: {  	s28 =	simm.s32 $_size_execute0_lowered;
	s3 =	sadd.s32 s3, s5;
	[dreg:$0x0] =	wrdreg $0x0  }
0xae: {  	s5 =	sshll.u32 s28, $0x1;
	[dreg:$0x2] =	wrdreg s3  }
0xaf: {  	[dreg:$0x3] =	wrdreg s5  }
0xb0: {  	[dreg:$0x4] =	wrdreg $0xC0  }
0xb1: {  	_ =	task [dreg:s7], $0x5FFFF  }
0xb2: {  	[dreg:$0x1] =	wrdreg $0xFFFFFFFF  }
0xb3: {  	[dreg:$0x0] =	wrdreg $0x60  }
0xb4: {  	[dreg:$0x2] =	wrdreg s24  }
0xb5: {  	[dreg:$0x3] =	wrdreg s16  }
0xb6: {  	[dreg:$0x4] =	wrdreg $0x9  }
0xb7: {  	_ =	task.clear_ibuf [dreg:s7], $0x5FFFF;
	_ =	strace $0x90000046  }
0xb8: {  	s29 =	simm.s32 $0x9;
	_ =	strace $0x80000048  }
0xb9: {  	_ =	swait.ge [sflag:s29], $0x1  }
0xba: {  	[sflag:s29] =	ssyncadd.s32 $0xFFFFFFFF  }
0xbb: {  	_ =	strace $0x90000048  }
0xbc: {  	_ =	sfence  }
0xbd: {  	s30 =	sld [smem:$0x0];
	_ =	sdelay $0x2  }
0xbe: {  	s31 =	sshll.u32 s1, $0xD;
	s1 =	sshrl.u32 s1, $0x2  }
0xbf: {  	s3 =	sand.u32 $0x4000, s31;
	s1 =	sadd.s32 s1, s30  }
0xc0: {  	s0 =	sor.u32 s3, s0;
	s1 =	sshll.u32 s1, $0x11  }
0xc1: {  	s0 =	sor.u32 s1, s0  }
0xc2: {  	s0 =	sadd.s32 $0x8F2B, s0  }
0xc3: {  	[sflag:s0] =	ssyncadd.remote.s32 $0x1  }
0xc4: {  	_ =	sfence.sel $0xFFFF  }
0xc5: {  	[dreg:$0x0] =	wrdreg $0xFFFFFFFF;
	(pc) =	sbr.abs _section_cstart, $3  }
0xc6: {  	[dreg:$0x1] =	wrdreg $0xFFFFFFFF  }
0xc7: {  	_ =	task.clear_ibuf [dreg:s7], $0x2FFFF;
	_ =	strace $0x9FFFFFFF  }
0xc8: {  	(tm) =	ssettm $0x7FFFFFFF  }
0xc9: {  	_ =	shalt  }
tec
execute0_lowered:
.L_overlay_start_1:
0x0: {  	(tag) =	ssettag $0x1  }
0x1: {  	s0 =	rddreg [dreg:$0x0]  }
0x2: {  	s1 =	srdreg.scid;
	s11 =	stileid.u32  }
0x3: {  	s4 =	rddreg [dreg:$0x1];
	s2 =	simm.s32 $0x0;
	s15 =	simm.s32 $0x9000  }
0x4: {  	s16 =	simm.s32 $0x9800;
	s17 =	simm.s32 $0xA000;
	s18 =	simm.s32 $0xA800  }
0x5: {  	s19 =	simm.s32 $0xB000;
	s20 =	simm.s32 $0xB800;
	s21 =	simm.s32 $0xC000  }
0x6: {  	s22 =	simm.s32 $0xC800;
	s23 =	simm.s32 $0xD000;
	s24 =	simm.s32 $0xD800  }
0x7: {  	s25 =	simm.s32 $0xE000;
	s26 =	simm.s32 $0xE800;
	s28 =	simm.s32 $0x10000  }
0x8: {  	s29 =	simm.s32 $0x1;
	s30 =	simm.s32 $0x2;
	[smem:$0x7FF] =	sst s2  }
0x9: {  	s31 =	simm.s32 $0x0;
	_ =	strace $0x80000047;
	[dreg:$0x5] =	wrdreg s15  }
0xa: {  	s1 =	sand.u32 $0x1, s1;
	s8 =	smul.u32 $0xD0000, s11;
	[dreg:$0x6] =	wrdreg s16  }
0xb: {  	s3 =	sshll.u32 s11, $0x1;
	s12 =	smul.u32 $0x1A000, s11;
	[dreg:$0x7] =	wrdreg s17  }
0xc: {  	s11 =	simm.s32 $0x2000;
	s5 =	sor.u32 s1, s3;
	[dreg:$0x8] =	wrdreg s18  }
0xd: {  	s7 =	ssub.s32 $0x2, s1;
	s3 =	sadd.s32 $0x8A00, s0;
	[dreg:$0x9] =	wrdreg s19  }
0xe: {  	s10 =	smul.u32 $0x68000, s1;
	s0 =	sadd.s32 $0x36A00, s0;
	[dreg:$0xa] =	wrdreg s20  }
0xf: {  	s1 =	smul.u32 $0xD000, s1;
	s15 =	simm.s32 $0x4000;
	[dreg:$0xb] =	wrdreg s21  }
0x10: {  	s16 =	simm.s32 $0x4800;
	s17 =	simm.s32 $0x5000;
	[dreg:$0xc] =	wrdreg s22  }
0x11: {  	s18 =	simm.s32 $0x5800;
	s19 =	simm.s32 $0x6000;
	[dreg:$0xd] =	wrdreg s23  }
0x12: {  	s20 =	simm.s32 $0x6800;
	s21 =	simm.s32 $0x7000;
	[dreg:$0xe] =	wrdreg s24  }
0x13: {  	s22 =	simm.s32 $0x7800;
	[dreg:$0xf] =	wrdreg s25;
	s23 =	simm.s32 $0x8000  }
0x14: {  	s24 =	simm.s32 $0x8800;
	[dreg:$0x10] =	wrdreg s26;
	s25 =	simm.s32 $0xF000  }
0x15: {  	s26 =	simm.s32 $0xF800;
	s6 =	smul.u32 $0x68000, s5;
	s9 =	sshrl.u32 s7, $0x1  }
0x16: {  	s5 =	sshll.u32 s5, $0x8;
	s14 =	sadd.s32 s12, s0;
	s12 =	simm.s32 $0x2800  }
0x17: {  	s7 =	ssub.s32 s7, s9;
	s8 =	sadd.s32 s10, s8;
	s4 =	sadd.s32 s4, s5  }
0x18: {  	s1 =	sadd.s32 s1, s14;
	s9 =	simm.s32 $0x1000;
	s10 =	simm.s32 $0x1800  }
0x19: {  	s14 =	simm.s32 $0x3800;
	[dreg:$0x11] =	wrdreg s4;
	s13 =	sshrl.u32 s8, $0x3  }
0x1a: {  	s6 =	sshrl.u32 s6, $0x3;
	s1 =	sadd.s32 $0x1000, s1;
	s8 =	simm.s32 $0x800  }
0x1b: {  	v2 =	vlaneseq.u32;
	s5 =	sadd.s32 s13, s0;
	s0 =	sadd.s32 s0, s6;
	[dreg:$0x4] =	wrdreg s1  }
0x1c: {  	vm0 =	vmmov $0xffff;
	v1 =	vshrl.u32 v2, $0x3;
	s6 =	smax.u32 s7, $0x1;
	[dreg:$0x3] =	wrdreg s5;
	s0 =	sadd.s32 $0xC000, s0  }
0x1d: {  	v0 =	vand.u32 $0x7, v2;
	v2 =	vor.u32 $0x8, v2;
	v1 =	vmul.u32 $0x8, v1;
	s7 =	simm.s32 $0x3;
	s13 =	simm.s32 $0x3000;
	[dreg:$0x12] =	wrdreg s0  }
.LBB2_1:
0x1e: {  	s0 =	rddreg [dreg:$0x11]  }
0x1f: {  	[tilespmem:s2], [sflag:$0x3] =	stream.linear.gather [hbm4b:s0+s2], $0x800, $0x38;
	[tilespmem:$0x10800] =	vst v63  }
0x20: {  	_ =	swait.ge [sflag:s7], $0x800  }
0x21: {  	[sflag:s7] =	ssyncset.done $0x0  }
0x22: {  	[sflag:s7] =	ssyncadd.s32 $0xFFFFF800  }
0x23: {  	v3 =	vld [tilespmem:$0x0];
	_ =	sdelay $0x4  }
0x24: {  	v4 =	vshll.u32 v3, $0x1  }
0x25: {  	v3 =	vand.u32 $0x7, v3;
	v4 =	vand.u32 $0xFFFFFFF0, v4  }
0x26: {  	v3 =	vor.u32 v3, v4  }
0x27: {  	v4 =	vperm.xlane v3, v0;
	_ =	sdelay $0x1  }
0x28: {  	v3 =	vperm.xlane v3, v2;
	v4 =	vadd.s32 v1, v4;
	_ =	sdelay $0x1  }
0x29: {  	v3 =	vadd.s32 v1, v3;
	_ =	sdelay $0x2  }
0x2a: {  	[tilespmem:s8], [sflag:$0x1] =	stream.indirect_vreg.gather [hbm4b:s3+s2], $0x80, v4, vm0, $0xb8;
	[tilespmem:$0x10800] =	vst v63  }
0x2b: {  	_ = 	snop  }
0x2c: {  	[tilespmem:s9], [sflag:$0x1] =	stream.indirect_vreg.gather [hbm4b:s3+s2], $0x80, v3, vm0, $0xb8;
	[tilespmem:$0x10800] =	vst v63  }
0x2d: {  	v3 =	vld [tilespmem:$0x10];
	_ =	sdelay $0x4  }
0x2e: {  	v57 =	vshll.u32 v3, $0x1  }
0x2f: {  	v3 =	vand.u32 $0x7, v3;
	v4 =	vand.u32 $0xFFFFFFF0, v57  }
0x30: {  	v3 =	vor.u32 v3, v4  }
0x31: {  	v4 =	vperm.xlane v3, v0;
	_ =	sdelay $0x1  }
0x32: {  	v3 =	vperm.xlane v3, v2;
	v4 =	vadd.s32 v1, v4;
	_ =	sdelay $0x1  }
0x33: {  	v3 =	vadd.s32 v1, v3;
	_ =	sdelay $0x2  }
0x34: {  	[tilespmem:s10], [sflag:$0x1] =	stream.indirect_vreg.gather [hbm4b:s3+s2], $0x80, v4, vm0, $0xb8;
	[tilespmem:$0x10800] =	vst v63  }
0x35: {  	_ = 	snop  }
0x36: {  	[tilespmem:s11], [sflag:$0x1] =	stream.indirect_vreg.gather [hbm4b:s3+s2], $0x80, v3, vm0, $0xb8;
	[tilespmem:$0x10800] =	vst v63  }
0x37: {  	v3 =	vld [tilespmem:$0x20];
	_ =	sdelay $0x4  }
0x38: {  	v58 =	vshll.u32 v3, $0x1  }
0x39: {  	v3 =	vand.u32 $0x7, v3;
	v4 =	vand.u32 $0xFFFFFFF0, v58  }
0x3a: {  	v3 =	vor.u32 v3, v4  }
0x3b: {  	v4 =	vperm.xlane v3, v0;
	_ =	sdelay $0x1  }
0x3c: {  	v3 =	vperm.xlane v3, v2;
	v4 =	vadd.s32 v1, v4;
	_ =	sdelay $0x1  }
0x3d: {  	v3 =	vadd.s32 v1, v3;
	_ =	sdelay $0x2  }
0x3e: {  	[tilespmem:s12], [sflag:$0x1] =	stream.indirect_vreg.gather [hbm4b:s3+s2], $0x80, v4, vm0, $0xb8;
	[tilespmem:$0x10800] =	vst v63  }
0x3f: {  	_ = 	snop  }
0x40: {  	[tilespmem:s13], [sflag:$0x1] =	stream.indirect_vreg.gather [hbm4b:s3+s2], $0x80, v3, vm0, $0xb8;
	[tilespmem:$0x10800] =	vst v63  }
0x41: {  	v3 =	vld [tilespmem:$0x30];
	_ =	sdelay $0x4  }
0x42: {  	v59 =	vshll.u32 v3, $0x1  }
0x43: {  	v3 =	vand.u32 $0x7, v3;
	v4 =	vand.u32 $0xFFFFFFF0, v59  }
0x44: {  	v3 =	vor.u32 v3, v4  }
0x45: {  	v4 =	vperm.xlane v3, v0;
	_ =	sdelay $0x1  }
0x46: {  	v3 =	vperm.xlane v3, v2;
	v4 =	vadd.s32 v1, v4;
	_ =	sdelay $0x1  }
0x47: {  	v3 =	vadd.s32 v1, v3;
	_ =	sdelay $0x2  }
0x48: {  	[tilespmem:s14], [sflag:$0x1] =	stream.indirect_vreg.gather [hbm4b:s3+s2], $0x80, v4, vm0, $0xb8;
	[tilespmem:$0x10800] =	vst v63  }
0x49: {  	_ = 	snop  }
0x4a: {  	[tilespmem:s15], [sflag:$0x1] =	stream.indirect_vreg.gather [hbm4b:s3+s2], $0x80, v3, vm0, $0xb8;
	[tilespmem:$0x10800] =	vst v63  }
0x4b: {  	v3 =	vld [tilespmem:$0x40];
	_ =	sdelay $0x4  }
0x4c: {  	v60 =	vshll.u32 v3, $0x1  }
0x4d: {  	v3 =	vand.u32 $0x7, v3;
	v4 =	vand.u32 $0xFFFFFFF0, v60  }
0x4e: {  	v3 =	vor.u32 v3, v4  }
0x4f: {  	v4 =	vperm.xlane v3, v0;
	_ =	sdelay $0x1  }
0x50: {  	v3 =	vperm.xlane v3, v2;
	v4 =	vadd.s32 v1, v4;
	_ =	sdelay $0x1  }
0x51: {  	v3 =	vadd.s32 v1, v3;
	_ =	sdelay $0x2  }
0x52: {  	[tilespmem:s16], [sflag:$0x1] =	stream.indirect_vreg.gather [hbm4b:s3+s2], $0x80, v4, vm0, $0xb8;
	[tilespmem:$0x10800] =	vst v63  }
0x53: {  	_ = 	snop  }
0x54: {  	[tilespmem:s17], [sflag:$0x1] =	stream.indirect_vreg.gather [hbm4b:s3+s2], $0x80, v3, vm0, $0xb8;
	[tilespmem:$0x10800] =	vst v63  }
0x55: {  	v3 =	vld [tilespmem:$0x50];
	_ =	sdelay $0x4  }
0x56: {  	v61 =	vshll.u32 v3, $0x1  }
0x57: {  	v3 =	vand.u32 $0x7, v3;
	v4 =	vand.u32 $0xFFFFFFF0, v61  }
0x58: {  	v3 =	vor.u32 v3, v4  }
0x59: {  	v4 =	vperm.xlane v3, v0;
	_ =	sdelay $0x1  }
0x5a: {  	v3 =	vperm.xlane v3, v2;
	v4 =	vadd.s32 v1, v4;
	_ =	sdelay $0x1  }
0x5b: {  	v3 =	vadd.s32 v1, v3;
	_ =	sdelay $0x2  }
0x5c: {  	[tilespmem:s18], [sflag:$0x1] =	stream.indirect_vreg.gather [hbm4b:s3+s2], $0x80, v4, vm0, $0xb8;
	[tilespmem:$0x10800] =	vst v63  }
0x5d: {  	_ = 	snop  }
0x5e: {  	[tilespmem:s19], [sflag:$0x1] =	stream.indirect_vreg.gather [hbm4b:s3+s2], $0x80, v3, vm0, $0xb8;
	[tilespmem:$0x10800] =	vst v63  }
0x5f: {  	v3 =	vld [tilespmem:$0x60];
	_ =	sdelay $0x4  }
0x60: {  	v62 =	vshll.u32 v3, $0x1  }
0x61: {  	v3 =	vand.u32 $0x7, v3;
	v4 =	vand.u32 $0xFFFFFFF0, v62  }
0x62: {  	v3 =	vor.u32 v3, v4  }
0x63: {  	v4 =	vperm.xlane v3, v0;
	_ =	sdelay $0x1  }
0x64: {  	v3 =	vperm.xlane v3, v2;
	v4 =	vadd.s32 v1, v4;
	_ =	sdelay $0x1  }
0x65: {  	v3 =	vadd.s32 v1, v3;
	_ =	sdelay $0x2  }
0x66: {  	[tilespmem:s20], [sflag:$0x1] =	stream.indirect_vreg.gather [hbm4b:s3+s2], $0x80, v4, vm0, $0xb8;
	[tilespmem:$0x10800] =	vst v63  }
0x67: {  	_ = 	snop  }
0x68: {  	[tilespmem:s21], [sflag:$0x1] =	stream.indirect_vreg.gather [hbm4b:s3+s2], $0x80, v3, vm0, $0xb8;
	[tilespmem:$0x10800] =	vst v63  }
0x69: {  	v3 =	vld [tilespmem:$0x70];
	_ =	sdelay $0x4  }
0x6a: {  	v63 =	vshll.u32 v3, $0x1  }
0x6b: {  	v3 =	vand.u32 $0x7, v3;
	v4 =	vand.u32 $0xFFFFFFF0, v63  }
0x6c: {  	v3 =	vor.u32 v3, v4  }
0x6d: {  	v4 =	vperm.xlane v3, v0;
	_ =	sdelay $0x1  }
0x6e: {  	v3 =	vperm.xlane v3, v2;
	v4 =	vadd.s32 v1, v4;
	_ =	sdelay $0x1  }
0x6f: {  	v3 =	vadd.s32 v1, v3;
	_ =	sdelay $0x2  }
0x70: {  	[tilespmem:s22], [sflag:$0x1] =	stream.indirect_vreg.gather [hbm4b:s3+s2], $0x80, v4, vm0, $0xb8;
	[tilespmem:$0x10800] =	vst v63  }
0x71: {  	s1 =	simm.s32 $0xC0;
	s0 =	simm.s32 $0x0  }
0x72: {  	[tilespmem:s23], [sflag:$0x1] =	stream.indirect_vreg.gather [hbm4b:s3+s2], $0x80, v3, vm0, $0xb8;
	[tilespmem:$0x10800] =	vst v63  }
.LBB2_2:
0x73: {  	v3 =	vld [tilespmem:s1+$0xFFFFFFC0];
	_ =	sdelay $0x4  }
0x74: {  	v4 =	vshll.u32 v3, $0x1  }
0x75: {  	v3 =	vand.u32 $0x7, v3;
	v4 =	vand.u32 $0xFFFFFFF0, v4  }
0x76: {  	v3 =	vor.u32 v3, v4  }
0x77: {  	v4 =	vperm.xlane v3, v0;
	_ =	sdelay $0x1  }
0x78: {  	v3 =	vperm.xlane v3, v2;
	v4 =	vadd.s32 v1, v4;
	_ =	sdelay $0x1  }
0x79: {  	v3 =	vadd.s32 v1, v3;
	_ =	sdelay $0x2  }
0x7a: {  	[tilespmem:s24], [sflag:$0x2] =	stream.indirect_vreg.gather [hbm4b:s3+s2], $0x80, v4, vm0, $0xb8;
	[tilespmem:$0x10800] =	vst v63  }
0x7b: {  	s4 =	rddreg [dreg:$0x5]  }
0x7c: {  	[tilespmem:s4], [sflag:$0x2] =	stream.indirect_vreg.gather [hbm4b:s3+s2], $0x80, v3, vm0, $0xb8;
	[tilespmem:$0x10800] =	vst v63  }
0x7d: {  	v3 =	vld [tilespmem:s1+$0xFFFFFFD0];
	_ =	sdelay $0x4  }
0x7e: {  	v49 =	vshll.u32 v3, $0x1  }
0x7f: {  	v3 =	vand.u32 $0x7, v3;
	v4 =	vand.u32 $0xFFFFFFF0, v49  }
0x80: {  	v3 =	vor.u32 v3, v4  }
0x81: {  	v4 =	vperm.xlane v3, v0;
	_ =	sdelay $0x1  }
0x82: {  	v3 =	vperm.xlane v3, v2;
	v4 =	vadd.s32 v1, v4;
	_ =	sdelay $0x1  }
0x83: {  	v3 =	vadd.s32 v1, v3;
	_ =	sdelay $0x1  }
0x84: {  	s4 =	rddreg [dreg:$0x6]  }
0x85: {  	[tilespmem:s4], [sflag:$0x2] =	stream.indirect_vreg.gather [hbm4b:s3+s2], $0x80, v4, vm0, $0xb8;
	[tilespmem:$0x10800] =	vst v63  }
0x86: {  	s5 =	rddreg [dreg:$0x7]  }
0x87: {  	[tilespmem:s5], [sflag:$0x2] =	stream.indirect_vreg.gather [hbm4b:s3+s2], $0x80, v3, vm0, $0xb8;
	[tilespmem:$0x10800] =	vst v63  }
0x88: {  	v3 =	vld [tilespmem:s1+$0xFFFFFFE0];
	_ =	sdelay $0x4  }
0x89: {  	v50 =	vshll.u32 v3, $0x1  }
0x8a: {  	v3 =	vand.u32 $0x7, v3;
	v4 =	vand.u32 $0xFFFFFFF0, v50  }
0x8b: {  	v3 =	vor.u32 v3, v4  }
0x8c: {  	v4 =	vperm.xlane v3, v0;
	_ =	sdelay $0x1  }
0x8d: {  	v3 =	vperm.xlane v3, v2;
	v4 =	vadd.s32 v1, v4;
	_ =	sdelay $0x1  }
0x8e: {  	v3 =	vadd.s32 v1, v3;
	_ =	sdelay $0x1  }
0x8f: {  	s4 =	rddreg [dreg:$0x8]  }
0x90: {  	[tilespmem:s4], [sflag:$0x2] =	stream.indirect_vreg.gather [hbm4b:s3+s2], $0x80, v4, vm0, $0xb8;
	[tilespmem:$0x10800] =	vst v63  }
0x91: {  	s5 =	rddreg [dreg:$0x9]  }
0x92: {  	[tilespmem:s5], [sflag:$0x2] =	stream.indirect_vreg.gather [hbm4b:s3+s2], $0x80, v3, vm0, $0xb8;
	[tilespmem:$0x10800] =	vst v63  }
0x93: {  	v3 =	vld [tilespmem:s1+$0xFFFFFFF0];
	_ =	sdelay $0x4  }
0x94: {  	v51 =	vshll.u32 v3, $0x1  }
0x95: {  	v3 =	vand.u32 $0x7, v3;
	v4 =	vand.u32 $0xFFFFFFF0, v51  }
0x96: {  	v3 =	vor.u32 v3, v4  }
0x97: {  	v4 =	vperm.xlane v3, v0;
	_ =	sdelay $0x1  }
0x98: {  	v3 =	vperm.xlane v3, v2;
	v4 =	vadd.s32 v1, v4;
	_ =	sdelay $0x1  }
0x99: {  	v3 =	vadd.s32 v1, v3;
	_ =	sdelay $0x1  }
0x9a: {  	s4 =	rddreg [dreg:$0xa]  }
0x9b: {  	[tilespmem:s4], [sflag:$0x2] =	stream.indirect_vreg.gather [hbm4b:s3+s2], $0x80, v4, vm0, $0xb8;
	[tilespmem:$0x10800] =	vst v63  }
0x9c: {  	s5 =	rddreg [dreg:$0xb]  }
0x9d: {  	[tilespmem:s5], [sflag:$0x2] =	stream.indirect_vreg.gather [hbm4b:s3+s2], $0x80, v3, vm0, $0xb8;
	[tilespmem:$0x10800] =	vst v63  }
0x9e: {  	v3 =	vld [tilespmem:s1+$0x0];
	_ =	sdelay $0x4  }
0x9f: {  	v52 =	vshll.u32 v3, $0x1  }
0xa0: {  	v3 =	vand.u32 $0x7, v3;
	v4 =	vand.u32 $0xFFFFFFF0, v52  }
0xa1: {  	v3 =	vor.u32 v3, v4  }
0xa2: {  	v4 =	vperm.xlane v3, v0;
	_ =	sdelay $0x1  }
0xa3: {  	v3 =	vperm.xlane v3, v2;
	v4 =	vadd.s32 v1, v4;
	_ =	sdelay $0x1  }
0xa4: {  	v3 =	vadd.s32 v1, v3;
	_ =	sdelay $0x1  }
0xa5: {  	s4 =	rddreg [dreg:$0xc]  }
0xa6: {  	[tilespmem:s4], [sflag:$0x2] =	stream.indirect_vreg.gather [hbm4b:s3+s2], $0x80, v4, vm0, $0xb8;
	[tilespmem:$0x10800] =	vst v63  }
0xa7: {  	s5 =	rddreg [dreg:$0xd]  }
0xa8: {  	[tilespmem:s5], [sflag:$0x2] =	stream.indirect_vreg.gather [hbm4b:s3+s2], $0x80, v3, vm0, $0xb8;
	[tilespmem:$0x10800] =	vst v63  }
0xa9: {  	v3 =	vld [tilespmem:s1+$0x10];
	_ =	sdelay $0x4  }
0xaa: {  	v53 =	vshll.u32 v3, $0x1  }
0xab: {  	v3 =	vand.u32 $0x7, v3;
	v4 =	vand.u32 $0xFFFFFFF0, v53  }
0xac: {  	v3 =	vor.u32 v3, v4  }
0xad: {  	v4 =	vperm.xlane v3, v0;
	_ =	sdelay $0x1  }
0xae: {  	v3 =	vperm.xlane v3, v2;
	v4 =	vadd.s32 v1, v4;
	_ =	sdelay $0x1  }
0xaf: {  	v3 =	vadd.s32 v1, v3;
	_ =	sdelay $0x1  }
0xb0: {  	s4 =	rddreg [dreg:$0xe]  }
0xb1: {  	[tilespmem:s4], [sflag:$0x2] =	stream.indirect_vreg.gather [hbm4b:s3+s2], $0x80, v4, vm0, $0xb8;
	[tilespmem:$0x10800] =	vst v63  }
0xb2: {  	s5 =	rddreg [dreg:$0xf]  }
0xb3: {  	[tilespmem:s5], [sflag:$0x2] =	stream.indirect_vreg.gather [hbm4b:s3+s2], $0x80, v3, vm0, $0xb8;
	[tilespmem:$0x10800] =	vst v63  }
0xb4: {  	v3 =	vld [tilespmem:s1+$0x20];
	_ =	sdelay $0x4  }
0xb5: {  	v54 =	vshll.u32 v3, $0x1  }
0xb6: {  	v3 =	vand.u32 $0x7, v3;
	v4 =	vand.u32 $0xFFFFFFF0, v54  }
0xb7: {  	v3 =	vor.u32 v3, v4  }
0xb8: {  	v4 =	vperm.xlane v3, v0;
	_ =	sdelay $0x1  }
0xb9: {  	v3 =	vperm.xlane v3, v2;
	v4 =	vadd.s32 v1, v4;
	_ =	sdelay $0x1  }
0xba: {  	v3 =	vadd.s32 v1, v3;
	_ =	sdelay $0x1  }
0xbb: {  	s5 =	rddreg [dreg:$0x10]  }
0xbc: {  	[tilespmem:s5], [sflag:$0x2] =	stream.indirect_vreg.gather [hbm4b:s3+s2], $0x80, v4, vm0, $0xb8;
	[tilespmem:$0x10800] =	vst v63  }
0xbd: {  	_ = 	snop  }
0xbe: {  	[tilespmem:s25], [sflag:$0x2] =	stream.indirect_vreg.gather [hbm4b:s3+s2], $0x80, v3, vm0, $0xb8;
	[tilespmem:$0x10800] =	vst v63  }
0xbf: {  	v3 =	vld [tilespmem:s1+$0x30];
	_ =	sdelay $0x4  }
0xc0: {  	v55 =	vshll.u32 v3, $0x1  }
0xc1: {  	v3 =	vand.u32 $0x7, v3;
	v4 =	vand.u32 $0xFFFFFFF0, v55  }
0xc2: {  	v3 =	vor.u32 v3, v4  }
0xc3: {  	v4 =	vperm.xlane v3, v0;
	_ =	sdelay $0x1  }
0xc4: {  	v3 =	vperm.xlane v3, v2;
	v4 =	vadd.s32 v1, v4;
	_ =	sdelay $0x1  }
0xc5: {  	v3 =	vadd.s32 v1, v3;
	_ =	sdelay $0x2  }
0xc6: {  	[tilespmem:s26], [sflag:$0x2] =	stream.indirect_vreg.gather [hbm4b:s3+s2], $0x80, v4, vm0, $0xb8;
	[tilespmem:$0x10800] =	vst v63  }
0xc7: {  	_ = 	snop  }
0xc8: {  	[tilespmem:s28], [sflag:$0x2] =	stream.indirect_vreg.gather [hbm4b:s3+s2], $0x80, v3, vm0, $0xb8;
	[tilespmem:$0x10800] =	vst v63  }
0xc9: {  	_ =	swait.ge [sflag:s29], $0x8000  }
0xca: {  	s5 =	rddreg [dreg:$0x3];
	[sflag:s29] =	ssyncset.done $0x0  }
0xcb: {  	[sflag:s29] =	ssyncadd.s32 $0xFFFF8000;
	s4 =	sadd.s32 s0, s5  }
0xcc: {  	[hbm4b:s4+s2] =	stream.linear.scatter [tilespmem:s8], [sflag:$0x3], $0x8000, $0x38;
	[tilespmem:$0x10800] =	vst v63  }
0xcd: {  	_ =	swait.ge [sflag:s7], $0x8000  }
0xce: {  	[sflag:s7] =	ssyncset.done $0x0  }
0xcf: {  	[sflag:s7] =	ssyncadd.s32 $0xFFFF8000  }
0xd0: {  	v3 =	vld [tilespmem:s1+$0x40];
	_ =	sdelay $0x4  }
0xd1: {  	v56 =	vshll.u32 v3, $0x1  }
0xd2: {  	v3 =	vand.u32 $0x7, v3;
	v4 =	vand.u32 $0xFFFFFFF0, v56  }
0xd3: {  	v3 =	vor.u32 v3, v4  }
0xd4: {  	v4 =	vperm.xlane v3, v0;
	_ =	sdelay $0x1  }
0xd5: {  	v3 =	vperm.xlane v3, v2;
	v4 =	vadd.s32 v1, v4;
	_ =	sdelay $0x1  }
0xd6: {  	v3 =	vadd.s32 v1, v3;
	_ =	sdelay $0x2  }
0xd7: {  	[tilespmem:s8], [sflag:$0x1] =	stream.indirect_vreg.gather [hbm4b:s3+s2], $0x80, v4, vm0, $0xb8;
	[tilespmem:$0x10800] =	vst v63  }
0xd8: {  	_ = 	snop  }
0xd9: {  	[tilespmem:s9], [sflag:$0x1] =	stream.indirect_vreg.gather [hbm4b:s3+s2], $0x80, v3, vm0, $0xb8;
	[tilespmem:$0x10800] =	vst v63  }
0xda: {  	v3 =	vld [tilespmem:s1+$0x50];
	_ =	sdelay $0x4  }
0xdb: {  	v57 =	vshll.u32 v3, $0x1  }
0xdc: {  	v3 =	vand.u32 $0x7, v3;
	v4 =	vand.u32 $0xFFFFFFF0, v57  }
0xdd: {  	v3 =	vor.u32 v3, v4  }
0xde: {  	v4 =	vperm.xlane v3, v0;
	_ =	sdelay $0x1  }
0xdf: {  	v3 =	vperm.xlane v3, v2;
	v4 =	vadd.s32 v1, v4;
	_ =	sdelay $0x1  }
0xe0: {  	v3 =	vadd.s32 v1, v3;
	_ =	sdelay $0x2  }
0xe1: {  	[tilespmem:s10], [sflag:$0x1] =	stream.indirect_vreg.gather [hbm4b:s3+s2], $0x80, v4, vm0, $0xb8;
	[tilespmem:$0x10800] =	vst v63  }
0xe2: {  	_ = 	snop  }
0xe3: {  	[tilespmem:s11], [sflag:$0x1] =	stream.indirect_vreg.gather [hbm4b:s3+s2], $0x80, v3, vm0, $0xb8;
	[tilespmem:$0x10800] =	vst v63  }
0xe4: {  	v3 =	vld [tilespmem:s1+$0x60];
	_ =	sdelay $0x4  }
0xe5: {  	v58 =	vshll.u32 v3, $0x1  }
0xe6: {  	v3 =	vand.u32 $0x7, v3;
	v4 =	vand.u32 $0xFFFFFFF0, v58  }
0xe7: {  	v3 =	vor.u32 v3, v4  }
0xe8: {  	v4 =	vperm.xlane v3, v0;
	_ =	sdelay $0x1  }
0xe9: {  	v3 =	vperm.xlane v3, v2;
	v4 =	vadd.s32 v1, v4;
	_ =	sdelay $0x1  }
0xea: {  	v3 =	vadd.s32 v1, v3;
	_ =	sdelay $0x2  }
0xeb: {  	[tilespmem:s12], [sflag:$0x1] =	stream.indirect_vreg.gather [hbm4b:s3+s2], $0x80, v4, vm0, $0xb8;
	[tilespmem:$0x10800] =	vst v63  }
0xec: {  	_ = 	snop  }
0xed: {  	[tilespmem:s13], [sflag:$0x1] =	stream.indirect_vreg.gather [hbm4b:s3+s2], $0x80, v3, vm0, $0xb8;
	[tilespmem:$0x10800] =	vst v63  }
0xee: {  	v3 =	vld [tilespmem:s1+$0x70];
	_ =	sdelay $0x4  }
0xef: {  	v59 =	vshll.u32 v3, $0x1  }
0xf0: {  	v3 =	vand.u32 $0x7, v3;
	v4 =	vand.u32 $0xFFFFFFF0, v59  }
0xf1: {  	v3 =	vor.u32 v3, v4  }
0xf2: {  	v4 =	vperm.xlane v3, v0;
	_ =	sdelay $0x1  }
0xf3: {  	v3 =	vperm.xlane v3, v2;
	v4 =	vadd.s32 v1, v4;
	_ =	sdelay $0x1  }
0xf4: {  	v3 =	vadd.s32 v1, v3;
	_ =	sdelay $0x2  }
0xf5: {  	[tilespmem:s14], [sflag:$0x1] =	stream.indirect_vreg.gather [hbm4b:s3+s2], $0x80, v4, vm0, $0xb8;
	[tilespmem:$0x10800] =	vst v63  }
0xf6: {  	_ = 	snop  }
0xf7: {  	[tilespmem:s15], [sflag:$0x1] =	stream.indirect_vreg.gather [hbm4b:s3+s2], $0x80, v3, vm0, $0xb8;
	[tilespmem:$0x10800] =	vst v63  }
0xf8: {  	v3 =	vld [tilespmem:s1+$0x80];
	_ =	sdelay $0x4  }
0xf9: {  	v60 =	vshll.u32 v3, $0x1  }
0xfa: {  	v3 =	vand.u32 $0x7, v3;
	v4 =	vand.u32 $0xFFFFFFF0, v60  }
0xfb: {  	v3 =	vor.u32 v3, v4  }
0xfc: {  	v4 =	vperm.xlane v3, v0;
	_ =	sdelay $0x1  }
0xfd: {  	v3 =	vperm.xlane v3, v2;
	v4 =	vadd.s32 v1, v4;
	_ =	sdelay $0x1  }
0xfe: {  	v3 =	vadd.s32 v1, v3;
	_ =	sdelay $0x2  }
0xff: {  	[tilespmem:s16], [sflag:$0x1] =	stream.indirect_vreg.gather [hbm4b:s3+s2], $0x80, v4, vm0, $0xb8;
	[tilespmem:$0x10800] =	vst v63  }
0x100: {  	_ = 	snop  }
0x101: {  	[tilespmem:s17], [sflag:$0x1] =	stream.indirect_vreg.gather [hbm4b:s3+s2], $0x80, v3, vm0, $0xb8;
	[tilespmem:$0x10800] =	vst v63  }
0x102: {  	v3 =	vld [tilespmem:s1+$0x90];
	_ =	sdelay $0x4  }
0x103: {  	v61 =	vshll.u32 v3, $0x1  }
0x104: {  	v3 =	vand.u32 $0x7, v3;
	v4 =	vand.u32 $0xFFFFFFF0, v61  }
0x105: {  	v3 =	vor.u32 v3, v4  }
0x106: {  	v4 =	vperm.xlane v3, v0;
	_ =	sdelay $0x1  }
0x107: {  	v3 =	vperm.xlane v3, v2;
	v4 =	vadd.s32 v1, v4;
	_ =	sdelay $0x1  }
0x108: {  	v3 =	vadd.s32 v1, v3;
	_ =	sdelay $0x2  }
0x109: {  	[tilespmem:s18], [sflag:$0x1] =	stream.indirect_vreg.gather [hbm4b:s3+s2], $0x80, v4, vm0, $0xb8;
	[tilespmem:$0x10800] =	vst v63  }
0x10a: {  	_ = 	snop  }
0x10b: {  	[tilespmem:s19], [sflag:$0x1] =	stream.indirect_vreg.gather [hbm4b:s3+s2], $0x80, v3, vm0, $0xb8;
	[tilespmem:$0x10800] =	vst v63  }
0x10c: {  	v3 =	vld [tilespmem:s1+$0xA0];
	_ =	sdelay $0x4  }
0x10d: {  	v62 =	vshll.u32 v3, $0x1  }
0x10e: {  	v3 =	vand.u32 $0x7, v3;
	v4 =	vand.u32 $0xFFFFFFF0, v62  }
0x10f: {  	v3 =	vor.u32 v3, v4  }
0x110: {  	v4 =	vperm.xlane v3, v0;
	_ =	sdelay $0x1  }
0x111: {  	v3 =	vperm.xlane v3, v2;
	v4 =	vadd.s32 v1, v4;
	_ =	sdelay $0x1  }
0x112: {  	v3 =	vadd.s32 v1, v3;
	_ =	sdelay $0x2  }
0x113: {  	[tilespmem:s20], [sflag:$0x1] =	stream.indirect_vreg.gather [hbm4b:s3+s2], $0x80, v4, vm0, $0xb8;
	[tilespmem:$0x10800] =	vst v63  }
0x114: {  	_ = 	snop  }
0x115: {  	[tilespmem:s21], [sflag:$0x1] =	stream.indirect_vreg.gather [hbm4b:s3+s2], $0x80, v3, vm0, $0xb8;
	[tilespmem:$0x10800] =	vst v63  }
0x116: {  	v3 =	vld [tilespmem:s1+$0xB0];
	_ =	sdelay $0x4  }
0x117: {  	v63 =	vshll.u32 v3, $0x1  }
0x118: {  	v3 =	vand.u32 $0x7, v3;
	v4 =	vand.u32 $0xFFFFFFF0, v63  }
0x119: {  	v3 =	vor.u32 v3, v4  }
0x11a: {  	v4 =	vperm.xlane v3, v0;
	_ =	sdelay $0x1  }
0x11b: {  	v3 =	vperm.xlane v3, v2;
	v4 =	vadd.s32 v1, v4;
	_ =	sdelay $0x1  }
0x11c: {  	v3 =	vadd.s32 v1, v3;
	_ =	sdelay $0x2  }
0x11d: {  	[tilespmem:s22], [sflag:$0x1] =	stream.indirect_vreg.gather [hbm4b:s3+s2], $0x80, v4, vm0, $0xb8;
	[tilespmem:$0x10800] =	vst v63  }
0x11e: {  	_ = 	snop  }
0x11f: {  	[tilespmem:s23], [sflag:$0x1] =	stream.indirect_vreg.gather [hbm4b:s3+s2], $0x80, v3, vm0, $0xb8;
	[tilespmem:$0x10800] =	vst v63  }
0x120: {  	_ =	swait.ge [sflag:s30], $0x8000  }
0x121: {  	p0 =	sne.s32 s0, $0xA000;
	s5 =	rddreg [dreg:$0x4];
	[sflag:s30] =	ssyncset.done $0x0  }
.Ltmp0:
0x122: {  	[sflag:s30] =	ssyncadd.s32 $0xFFFF8000;
	s4 =	sadd.s32 s0, s5;
	(pc) =	sbr.rel @p0 .LBB2_2-.Ltmp0, $4  }
0x123: {  	[hbm4b:s4+s2] =	stream.linear.scatter [tilespmem:s24], [sflag:$0x3], $0x8000, $0x38;
	[tilespmem:$0x10800] =	vst v63  }
0x124: {  	_ =	swait.ge [sflag:s7], $0x8000  }
0x125: {  	[sflag:s7] =	ssyncset.done $0x0  }
0x126: {  	s1 =	sadd.s32 $0x100, s1;
	s0 =	sadd.s32 $0x2000, s0;
	[sflag:s7] =	ssyncadd.s32 $0xFFFF8000  }
0x127: {  	_ =	swait.ge [sflag:s29], $0x8000;
	s31 =	sadd.s32 $0x1, s31  }
0x128: {  	[sflag:s29] =	ssyncset.done $0x0;
	p0 =	sne.s32 s31, s6  }
.Ltmp1:
0x129: {  	s0 =	rddreg [dreg:$0x12];
	[sflag:s29] =	ssyncadd.s32 $0xFFFF8000;
	(pc) =	sbr.rel @p0 .LBB2_1-.Ltmp1, $4  }
0x12a: {  	[hbm4b:s0+s2] =	stream.linear.scatter [tilespmem:s8], [sflag:$0x3], $0x8000, $0x38;
	[tilespmem:$0x10800] =	vst v63  }
0x12b: {  	_ =	swait.ge [sflag:s7], $0x8000  }
0x12c: {  	[sflag:s7] =	ssyncset.done $0x0  }
0x12d: {  	[sflag:s7] =	ssyncadd.s32 $0xFFFF8000  }
0x12e: {  	_ =	sfence.sel $0x180000  }
0x12f: {  	[bflag:$0x0] =	sbarrier.arrive $0xFFFF  }
0x130: {  	_ =	strace $0x90000047  }
0x131: {  	s0 =	stileid.u32;
	[bflag:$0x2] =	sbarrier.arrive $0xFFFF  }
0x132: {  	p0 =	sne.s32 s0, $0x0;
	s0 =	rddreg [dreg:$0x2]  }
0x133: {  	s0 =	sadd.s32 @!p0 $0x100000, s0  }
0x134: {  	[sflag:s0] =	ssyncadd.tile.s32 @!p0 $0x1;
	_ =	shalt  }
.Lfunc_end2:
_tile_overlayer_lowered:
.L_overlay_start_2:
0x135: {  	(tag) =	ssettag $0x2  }
0x136: {  	s0 =	rddreg [dreg:$0x0];
	s2 =	stileid.u32  }
0x137: {  	s1 =	rddreg [dreg:$0x1];
	p0 =	sne.s32 s2, $0x0  }
0x138: {  	s3 =	rddreg [dreg:$0x2];
	[bflag:$0x3] =	sbarrier.arrive $0xFFFF;
	s2 =	simm.s32 @!p0 $0x1C03  }
0x139: {  	[timem:s3], [sflag:s2] =	dma.local @!p0 [hbm:s0], s1  }
0x13a: {  	s0 =	simm.s32 @!p0 $0x3  }
0x13b: {  	_ =	swait.ge @!p0 [sflag:s0], s1  }
0x13c: {  	s1 =	ssub.s32 @!p0 $0x0, s1;
	[sflag:s0] =	ssyncset.done @!p0 $0x0  }
0x13d: {  	[sflag:s0] =	ssyncadd.s32 @!p0 s1  }
0x13e: {  	[bflag:$0x3] =	sbarrier.arrive $0xFFFF  }
0x13f: {  	_ =	shalt  }

</sc_bundles>
